<compile_context>
chip_gen: v7x
topology: tpu7x:2x2x1
jax: 0.10.2.dev20260603
libtpu: 0.0.44.dev20260713+nightly
codegen_flags: <defaults>
</compile_context>

<pallas_src>
import functools

import jax
import jax.numpy as jnp
from jax import lax
from jax.experimental import pallas as pl
from jax.experimental.pallas import tpu as pltpu
from jax.experimental.pallas import tpu_sc as plsc

N_NODES = 10000
N_EDGES = 320000
D = 128
L = 16

NC = 2
NS = 16
NW = NC * NS

NPAD = 10240
EDGES_PER_TILE = 10240
E_PAD = NW * EDGES_PER_TILE
CHUNK = 32
KBUF = 8
GROUP = KBUF * CHUNK
NGROUPS = EDGES_PER_TILE // GROUP
NCHUNKS = EDGES_PER_TILE // CHUNK
DEGB = 2048
NDEGG = EDGES_PER_TILE // DEGB
ZROWS = NPAD // NS


def _sc_segment_sum(x, src, dst, dst2, zeros_feat, zeros_deg):
    mesh = plsc.VectorSubcoreMesh(
        core_axis_name="c", subcore_axis_name="s", num_cores=NC, num_subcores=NS
    )

    @functools.partial(
        pl.kernel,
        mesh=mesh,
        compiler_params=pltpu.CompilerParams(needs_layout_passes=False),
        out_type=[
            jax.ShapeDtypeStruct((NC * NPAD, D), jnp.float32),
            jax.ShapeDtypeStruct((NW * NPAD,), jnp.float32),
        ],
        scratch_types=[
            pltpu.VMEM((GROUP,), jnp.int32),
            pltpu.VMEM((KBUF, CHUNK), jnp.int32),
            pltpu.VMEM((KBUF, CHUNK, D), jnp.float32),
            pltpu.VMEM((DEGB,), jnp.int32),
            pltpu.VMEM((NPAD,), jnp.float32),
            pltpu.VMEM_SHARED((NPAD, D), jnp.float32),
            pltpu.SemaphoreType.DMA,
            pltpu.SemaphoreType.DMA,
        ],
    )
    def seg_kernel(x_hbm, src_hbm, dst_hbm, dst2_hbm, zf_hbm, zd_hbm,
                   acc_out, deg_out,
                   sidx_v, didx_v, rows_v, degidx_v, deg_v, acc_s,
                   gsem, ssem):
        cid = lax.axis_index("c")
        sid = lax.axis_index("s")
        wid = sid * NC + cid
        zbase = sid * ZROWS
        ebase = wid * EDGES_PER_TILE

        pltpu.sync_copy(zf_hbm.at[pl.ds(zbase, ZROWS)], acc_s.at[pl.ds(zbase, ZROWS)])
        pltpu.sync_copy(zd_hbm, deg_v)
        plsc.subcore_barrier()

        def body(g, carry):
            base = ebase + g * GROUP

            @pl.when(base < N_EDGES)
            def _():
                pltpu.sync_copy(src_hbm.at[pl.ds(base, GROUP)], sidx_v)
                pltpu.sync_copy(
                    dst2_hbm.at[pl.ds(wid * NCHUNKS + g * KBUF, KBUF)], didx_v)
                gathers = [
                    pltpu.async_copy(
                        x_hbm.at[sidx_v.at[pl.ds(b * CHUNK, CHUNK)]],
                        rows_v.at[b], gsem)
                    for b in range(KBUF)
                ]
                for desc in gathers:
                    desc.wait()
                scatters = [
                    pltpu.async_copy(rows_v.at[b], acc_s.at[didx_v.at[b]],
                                     ssem, add=True)
                    for b in range(KBUF)
                ]
                for desc in scatters:
                    desc.wait()

            return carry

        lax.fori_loop(0, NGROUPS, body, 0)

        ones = jnp.ones((L,), jnp.float32)

        def deg_body(g, carry):
            pltpu.sync_copy(dst_hbm.at[pl.ds(ebase + g * DEGB, DEGB)], degidx_v)
            for k in range(DEGB // L):
                idx = degidx_v[pl.ds(k * L, L)]
                plsc.addupdate_scatter(deg_v, [idx], ones)
            return carry

        lax.fori_loop(0, NDEGG, deg_body, 0)

        plsc.subcore_barrier()

        pltpu.sync_copy(acc_s.at[pl.ds(zbase, ZROWS)],
                        acc_out.at[pl.ds(cid * NPAD + zbase, ZROWS)])
        pltpu.sync_copy(deg_v, deg_out.at[pl.ds(wid * NPAD, NPAD)])

    return seg_kernel(x, src, dst, dst2, zeros_feat, zeros_deg)


def _tc_degsum_kernel(dp_ref, out_ref):
    out_ref[...] = jnp.maximum(jnp.sum(dp_ref[...], axis=0), 1.0)


def _tc_degsum(deg_parts):
    return pl.pallas_call(
        _tc_degsum_kernel,
        out_shape=jax.ShapeDtypeStruct((NPAD // D, D), jnp.float32),
    )(deg_parts)


ROWS_BLK = 1000


def _tc_combine_kernel(acc_ref, d_ref, x_ref, wl_ref, wr_ref, b_ref, out_ref):
    agg = (acc_ref[0] + acc_ref[1]) / d_ref[...]
    out = (jnp.dot(agg, wl_ref[...], preferred_element_type=jnp.float32)
           + jnp.dot(x_ref[...], wr_ref[...], preferred_element_type=jnp.float32)
           + b_ref[...])
    out_ref[...] = jnp.maximum(out, 0.0)


def _tc_combine(acc, deg, x, w_l, w_r, b):
    grid = (N_NODES // ROWS_BLK,)
    return pl.pallas_call(
        _tc_combine_kernel,
        grid=grid,
        in_specs=[
            pl.BlockSpec((NC, ROWS_BLK, D), lambda i: (0, i, 0)),
            pl.BlockSpec((ROWS_BLK, 1), lambda i: (i, 0)),
            pl.BlockSpec((ROWS_BLK, D), lambda i: (i, 0)),
            pl.BlockSpec((D, D), lambda i: (0, 0)),
            pl.BlockSpec((D, D), lambda i: (0, 0)),
            pl.BlockSpec((1, D), lambda i: (0, 0)),
        ],
        out_specs=pl.BlockSpec((ROWS_BLK, D), lambda i: (i, 0)),
        out_shape=jax.ShapeDtypeStruct((N_NODES, D), jnp.float32),
    )(acc, deg, x, w_l, w_r, b)


def kernel(x, edge_index, W_l, W_r, b):
    npad_edges = E_PAD - N_EDGES
    src = jnp.concatenate(
        [edge_index[0], jnp.zeros((npad_edges,), jnp.int32)])
    dst = jnp.concatenate(
        [edge_index[1], jnp.full((npad_edges,), NPAD - 1, jnp.int32)])
    dst2 = dst.reshape(NW * NCHUNKS, CHUNK)
    zeros_feat = jnp.zeros((NPAD, D), jnp.float32)
    zeros_deg = jnp.zeros((NPAD,), jnp.float32)
    acc, deg_parts = _sc_segment_sum(x, src, dst, dst2, zeros_feat, zeros_deg)
    acc = acc.reshape(NC, NPAD, D)
    deg = _tc_degsum(deg_parts.reshape(NW, NPAD // D, D))
    deg = deg.reshape(NPAD, 1)
    return _tc_combine(acc, deg, x, W_l, W_r, b.reshape(1, D))

# --- scband reference (transcript-rebuilt; emitter-appended) ---
"""Pipeline reference for scband-graph-sagelayer-19172734010017 (READ-ONLY COPY).

The authoritative reference and input builder live on the scoring server;
editing this copy changes nothing except your own understanding.
"""

import jax, jax.numpy as jnp
import numpy as np

N = 10000
E = 320000
D_IN = 128
D_OUT = 128


def setup_inputs(seed: int = 0) -> dict:
    key = jax.random.key(seed)
    k1, k2, k3, k4, k5 = jax.random.split(key, 5)
    x = jax.random.normal(k1, (N, D_IN), dtype=jnp.float32)
    edge_index = jax.random.randint(k2, (2, E), 0, N, dtype=jnp.int32)
    # GraphSAGE (PyG SAGEConv-style) parameters:
    #   lin_l applied to aggregated neighbor features, lin_r applied to root features
    W_l = jax.random.normal(k3, (D_IN, D_OUT), dtype=jnp.float32) * (1.0 / np.sqrt(D_IN))
    W_r = jax.random.normal(k4, (D_IN, D_OUT), dtype=jnp.float32) * (1.0 / np.sqrt(D_IN))
    b = jax.random.normal(k5, (D_OUT,), dtype=jnp.float32) * 0.01
    return {"x": x, "edge_index": edge_index, "W_l": W_l, "W_r": W_r, "b": b}


def reference(x, edge_index, W_l, W_r, b):
    src = edge_index[0]
    dst = edge_index[1]
    # gather source-node features (message passing)
    msgs = jnp.take(x, src, axis=0)  # [E, D_IN]
    # mean aggregation over destination nodes (scatter-add + count)
    agg_sum = jax.ops.segment_sum(msgs, dst, num_segments=N)  # [N, D_IN]
    deg = jax.ops.segment_sum(jnp.ones((E,), dtype=jnp.float32), dst, num_segments=N)
    agg = agg_sum / jnp.clip(deg, 1.0, None)[:, None]
    # SAGEConv: lin_l(agg) + lin_r(x_root) + bias, then ReLU from the layer wrapper
    out = agg @ W_l + x @ W_r + b
    return jax.nn.relu(out)

if __name__ == "__main__":
    import jax
    _d = setup_inputs()
    print(jax.jit(kernel)(*tuple(_d.values())))

</pallas_src>

<mosaic_0001>
#map = affine_map<(d0, d1) -> (0, 0)>
#map1 = affine_map<(d0, d1) -> (0)>
module attributes {stable_mosaic.version = 14 : i64} {
  func.func @seg_kernel(%arg0: i32, %arg1: i32, %arg2: memref<10000x128xf32, #tpu.memory_space<hbm>>, %arg3: memref<327680xi32, #tpu.memory_space<hbm>>, %arg4: memref<327680xi32, #tpu.memory_space<hbm>>, %arg5: memref<10240x32xi32, #tpu.memory_space<hbm>>, %arg6: memref<10240x128xf32, #tpu.memory_space<hbm>>, %arg7: memref<10240xf32, #tpu.memory_space<hbm>>, %arg8: memref<20480x128xf32, #tpu.memory_space<hbm>>, %arg9: memref<327680xf32, #tpu.memory_space<hbm>>, %arg10: memref<256xi32, #tpu.memory_space<vmem>>, %arg11: memref<8x32xi32, #tpu.memory_space<vmem>>, %arg12: memref<8x32x128xf32, #tpu.memory_space<vmem>>, %arg13: memref<2048xi32, #tpu.memory_space<vmem>>, %arg14: memref<10240xf32, #tpu.memory_space<vmem>>, %arg15: memref<10240x128xf32, #tpu.memory_space<vmem_shared>>, %arg16: memref<!tpu.dma_semaphore, #tpu.memory_space<semaphore_mem>>, %arg17: memref<!tpu.dma_semaphore, #tpu.memory_space<semaphore_mem>>) attributes {dimension_semantics = [#tpu.dimension_semantics<core_parallel>, #tpu.dimension_semantics<subcore_parallel>], iteration_bounds = array<i64: 2, 16>, scalar_prefetch = 0 : i64, scratch_operands = 8 : i64, tpu.core_type = #tpu.core_type<sc_vector_subcore>, window_params = [{transform_indices = #map}, {transform_indices = #map1}, {transform_indices = #map1}, {transform_indices = #map}, {transform_indices = #map}, {transform_indices = #map1}, {transform_indices = #map}, {transform_indices = #map1}]} {
    %mul3A = arith.constant 2 : i32
    %mul3A_0 = arith.muli %arg1, %mul3A : i32
    %add3A = arith.addi %mul3A_0, %arg0 : i32
    %mul3A_1 = arith.constant 640 : i32
    %mul3A_2 = arith.muli %arg1, %mul3A_1 : i32
    %mul3A_3 = arith.constant 10240 : i32
    %mul3A_4 = arith.muli %add3A, %mul3A_3 : i32
    "tpu.region"() ({
      %run_scoped3A = tpu.sem_alloc : memref<!tpu.dma_semaphore, #tpu.memory_space<semaphore_mem>>
      %dma_start3A = arith.constant 0 : i32
      %dma_start3A_23 = tpu.memref_slice %arg15[%mul3A_2, %dma_start3A] : memref<10240x128xf32, #tpu.memory_space<vmem_shared>> -> memref<640x128xf32, #tpu.memory_space<vmem_shared>>
      %dma_start3A_24 = arith.constant 0 : i32
      %dma_start3A_25 = tpu.memref_slice %arg6[%mul3A_2, %dma_start3A_24] : memref<10240x128xf32, #tpu.memory_space<hbm>> -> memref<640x128xf32, #tpu.memory_space<hbm>>
      tpu.enqueue_dma source(%dma_start3A_25 : memref<640x128xf32, #tpu.memory_space<hbm>>) target(%dma_start3A_23 : memref<640x128xf32, #tpu.memory_space<vmem_shared>>) target_semaphore(%run_scoped3A : memref<!tpu.dma_semaphore, #tpu.memory_space<semaphore_mem>>)
      %dma_wait3A = arith.constant 0 : i32
      %dma_wait3A_26 = tpu.memref_slice %arg15[%mul3A_2, %dma_wait3A] : memref<10240x128xf32, #tpu.memory_space<vmem_shared>> -> memref<640x128xf32, #tpu.memory_space<vmem_shared>>
      %dma_wait3A_27 = arith.constant 0 : i32
      %dma_wait3A_28 = tpu.memref_slice %arg6[%mul3A_2, %dma_wait3A_27] : memref<10240x128xf32, #tpu.memory_space<hbm>> -> memref<640x128xf32, #tpu.memory_space<hbm>>
      tpu.wait_dma2 semaphore(%run_scoped3A : memref<!tpu.dma_semaphore, #tpu.memory_space<semaphore_mem>>) src(%dma_wait3A_28 : memref<640x128xf32, #tpu.memory_space<hbm>>) dst(%dma_wait3A_26 : memref<640x128xf32, #tpu.memory_space<vmem_shared>>)
      tpu.yield
    }) : () -> ()
    "tpu.region"() ({
      %run_scoped3A = tpu.sem_alloc : memref<!tpu.dma_semaphore, #tpu.memory_space<semaphore_mem>>
      tpu.enqueue_dma source(%arg7 : memref<10240xf32, #tpu.memory_space<hbm>>) target(%arg14 : memref<10240xf32, #tpu.memory_space<vmem>>) target_semaphore(%run_scoped3A : memref<!tpu.dma_semaphore, #tpu.memory_space<semaphore_mem>>)
      tpu.wait_dma2 semaphore(%run_scoped3A : memref<!tpu.dma_semaphore, #tpu.memory_space<semaphore_mem>>) src(%arg7 : memref<10240xf32, #tpu.memory_space<hbm>>) dst(%arg14 : memref<10240xf32, #tpu.memory_space<vmem>>)
      tpu.yield
    }) : () -> ()
    %barrier3A = arith.constant 0 : index
    tpu.barrier barrier_id(%barrier3A)
    %scan3A = arith.constant 0 : i32
    %scan3A_5 = arith.constant 0 : i32
    %scan3A_6 = arith.constant 40 : i32
    %scan3A_7 = arith.addi %scan3A_5, %scan3A_6 : i32
    %scan3A_8 = arith.constant 1 : i32
    scf.for %scan3A_23 = %scan3A_5 to %scan3A_7 step %scan3A_8  : i32 {
      %mul3A_24 = arith.constant 256 : i32
      %mul3A_25 = arith.muli %scan3A_23, %mul3A_24 : i32
      %add3A_26 = arith.addi %mul3A_4, %mul3A_25 : i32
      %lt3A = arith.constant 320000 : i32
      %lt3A_27 = arith.cmpi slt, %add3A_26, %lt3A : i32
      %convert_element_type3A = arith.extui %lt3A_27 : i1 to i32
      %cond3A = arith.constant 0 : i32
      %cond3A_28 = arith.cmpi ne, %convert_element_type3A, %cond3A : i32
      scf.if %cond3A_28 {
        "tpu.region"() ({
          %run_scoped3A = tpu.sem_alloc : memref<!tpu.dma_semaphore, #tpu.memory_space<semaphore_mem>>
          %dma_start3A_384 = tpu.memref_slice %arg3[%add3A_26] : memref<327680xi32, #tpu.memory_space<hbm>> -> memref<256xi32, #tpu.memory_space<hbm>>
          %dma_start3A_385 = tpu.memref_slice %arg3[%add3A_26] : memref<327680xi32, #tpu.memory_space<hbm>> -> memref<256xi32, #tpu.memory_space<hbm>>
          tpu.enqueue_dma source(%dma_start3A_385 : memref<256xi32, #tpu.memory_space<hbm>>) target(%arg10 : memref<256xi32, #tpu.memory_space<vmem>>) target_semaphore(%run_scoped3A : memref<!tpu.dma_semaphore, #tpu.memory_space<semaphore_mem>>)
          %dma_wait3A_386 = tpu.memref_slice %arg3[%add3A_26] : memref<327680xi32, #tpu.memory_space<hbm>> -> memref<256xi32, #tpu.memory_space<hbm>>
          %dma_wait3A_387 = tpu.memref_slice %arg3[%add3A_26] : memref<327680xi32, #tpu.memory_space<hbm>> -> memref<256xi32, #tpu.memory_space<hbm>>
          tpu.wait_dma2 semaphore(%run_scoped3A : memref<!tpu.dma_semaphore, #tpu.memory_space<semaphore_mem>>) src(%dma_wait3A_387 : memref<256xi32, #tpu.memory_space<hbm>>) dst(%arg10 : memref<256xi32, #tpu.memory_space<vmem>>)
          tpu.yield
        }) : () -> ()
        %mul3A_29 = arith.constant 320 : i32
        %mul3A_30 = arith.muli %add3A, %mul3A_29 : i32
        %mul3A_31 = arith.constant 8 : i32
        %mul3A_32 = arith.muli %scan3A_23, %mul3A_31 : i32
        %add3A_33 = arith.addi %mul3A_30, %mul3A_32 : i32
        "tpu.region"() ({
          %run_scoped3A = tpu.sem_alloc : memref<!tpu.dma_semaphore, #tpu.memory_space<semaphore_mem>>
          %dma_start3A_384 = arith.constant 0 : i32
          %dma_start3A_385 = tpu.memref_slice %arg5[%add3A_33, %dma_start3A_384] : memref<10240x32xi32, #tpu.memory_space<hbm>> -> memref<8x32xi32, #tpu.memory_space<hbm>>
          %dma_start3A_386 = arith.constant 0 : i32
          %dma_start3A_387 = tpu.memref_slice %arg5[%add3A_33, %dma_start3A_386] : memref<10240x32xi32, #tpu.memory_space<hbm>> -> memref<8x32xi32, #tpu.memory_space<hbm>>
          tpu.enqueue_dma source(%dma_start3A_387 : memref<8x32xi32, #tpu.memory_space<hbm>>) target(%arg11 : memref<8x32xi32, #tpu.memory_space<vmem>>) target_semaphore(%run_scoped3A : memref<!tpu.dma_semaphore, #tpu.memory_space<semaphore_mem>>)
          %dma_wait3A_388 = arith.constant 0 : i32
          %dma_wait3A_389 = tpu.memref_slice %arg5[%add3A_33, %dma_wait3A_388] : memref<10240x32xi32, #tpu.memory_space<hbm>> -> memref<8x32xi32, #tpu.memory_space<hbm>>
          %dma_wait3A_390 = arith.constant 0 : i32
          %dma_wait3A_391 = tpu.memref_slice %arg5[%add3A_33, %dma_wait3A_390] : memref<10240x32xi32, #tpu.memory_space<hbm>> -> memref<8x32xi32, #tpu.memory_space<hbm>>
          tpu.wait_dma2 semaphore(%run_scoped3A : memref<!tpu.dma_semaphore, #tpu.memory_space<semaphore_mem>>) src(%dma_wait3A_391 : memref<8x32xi32, #tpu.memory_space<hbm>>) dst(%arg11 : memref<8x32xi32, #tpu.memory_space<vmem>>)
          tpu.yield
        }) : () -> ()
        %dma_start3A = arith.constant 0 : i32
        %dma_start3A_34 = arith.constant 0 : i32
        %dma_start3A_35 = arith.constant 0 : i32
        %dma_start3A_36 = tpu.memref_slice %arg12[%dma_start3A, %dma_start3A_34, %dma_start3A_35] : memref<8x32x128xf32, #tpu.memory_space<vmem>> -> memref<1x32x128xf32, #tpu.memory_space<vmem>>
        %dma_start3A_37 = tpu.memref_squeeze %dma_start3A_36 : memref<1x32x128xf32, #tpu.memory_space<vmem>> -> memref<32x128xf32, #tpu.memory_space<vmem>>
        %dma_start3A_38 = arith.constant 0 : i32
        %dma_start3A_39 = tpu.memref_slice %arg10[%dma_start3A_38] : memref<256xi32, #tpu.memory_space<vmem>> -> memref<32xi32, #tpu.memory_space<vmem>>
        %dma_start3A_40 = arith.constant 0 : i32
        %dma_start3A_41 = arith.constant 0 : i32
        %dma_start3A_42 = tpu.memref_slice %arg2[%dma_start3A_40, %dma_start3A_41] : memref<10000x128xf32, #tpu.memory_space<hbm>> -> memref<10000x128xf32, #tpu.memory_space<hbm>>
        tpu.enqueue_indirect_dma source(%dma_start3A_42 : memref<10000x128xf32, #tpu.memory_space<hbm>>) target(%dma_start3A_37 : memref<32x128xf32, #tpu.memory_space<vmem>>) offsets(%dma_start3A_39 : memref<32xi32, #tpu.memory_space<vmem>>) semaphore(%arg16 : memref<!tpu.dma_semaphore, #tpu.memory_space<semaphore_mem>>)
        %dma_start3A_43 = arith.constant 1 : i32
        %dma_start3A_44 = arith.constant 0 : i32
        %dma_start3A_45 = arith.constant 0 : i32
        %dma_start3A_46 = tpu.memref_slice %arg12[%dma_start3A_43, %dma_start3A_44, %dma_start3A_45] : memref<8x32x128xf32, #tpu.memory_space<vmem>> -> memref<1x32x128xf32, #tpu.memory_space<vmem>>
        %dma_start3A_47 = tpu.memref_squeeze %dma_start3A_46 : memref<1x32x128xf32, #tpu.memory_space<vmem>> -> memref<32x128xf32, #tpu.memory_space<vmem>>
        %dma_start3A_48 = arith.constant 32 : i32
        %dma_start3A_49 = tpu.memref_slice %arg10[%dma_start3A_48] : memref<256xi32, #tpu.memory_space<vmem>> -> memref<32xi32, #tpu.memory_space<vmem>>
        %dma_start3A_50 = arith.constant 0 : i32
        %dma_start3A_51 = arith.constant 0 : i32
        %dma_start3A_52 = tpu.memref_slice %arg2[%dma_start3A_50, %dma_start3A_51] : memref<10000x128xf32, #tpu.memory_space<hbm>> -> memref<10000x128xf32, #tpu.memory_space<hbm>>
        tpu.enqueue_indirect_dma source(%dma_start3A_52 : memref<10000x128xf32, #tpu.memory_space<hbm>>) target(%dma_start3A_47 : memref<32x128xf32, #tpu.memory_space<vmem>>) offsets(%dma_start3A_49 : memref<32xi32, #tpu.memory_space<vmem>>) semaphore(%arg16 : memref<!tpu.dma_semaphore, #tpu.memory_space<semaphore_mem>>)
        %dma_start3A_53 = arith.constant 2 : i32
        %dma_start3A_54 = arith.constant 0 : i32
        %dma_start3A_55 = arith.constant 0 : i32
        %dma_start3A_56 = tpu.memref_slice %arg12[%dma_start3A_53, %dma_start3A_54, %dma_start3A_55] : memref<8x32x128xf32, #tpu.memory_space<vmem>> -> memref<1x32x128xf32, #tpu.memory_space<vmem>>
        %dma_start3A_57 = tpu.memref_squeeze %dma_start3A_56 : memref<1x32x128xf32, #tpu.memory_space<vmem>> -> memref<32x128xf32, #tpu.memory_space<vmem>>
        %dma_start3A_58 = arith.constant 64 : i32
        %dma_start3A_59 = tpu.memref_slice %arg10[%dma_start3A_58] : memref<256xi32, #tpu.memory_space<vmem>> -> memref<32xi32, #tpu.memory_space<vmem>>
        %dma_start3A_60 = arith.constant 0 : i32
        %dma_start3A_61 = arith.constant 0 : i32
        %dma_start3A_62 = tpu.memref_slice %arg2[%dma_start3A_60, %dma_start3A_61] : memref<10000x128xf32, #tpu.memory_space<hbm>> -> memref<10000x128xf32, #tpu.memory_space<hbm>>
        tpu.enqueue_indirect_dma source(%dma_start3A_62 : memref<10000x128xf32, #tpu.memory_space<hbm>>) target(%dma_start3A_57 : memref<32x128xf32, #tpu.memory_space<vmem>>) offsets(%dma_start3A_59 : memref<32xi32, #tpu.memory_space<vmem>>) semaphore(%arg16 : memref<!tpu.dma_semaphore, #tpu.memory_space<semaphore_mem>>)
        %dma_start3A_63 = arith.constant 3 : i32
        %dma_start3A_64 = arith.constant 0 : i32
        %dma_start3A_65 = arith.constant 0 : i32
        %dma_start3A_66 = tpu.memref_slice %arg12[%dma_start3A_63, %dma_start3A_64, %dma_start3A_65] : memref<8x32x128xf32, #tpu.memory_space<vmem>> -> memref<1x32x128xf32, #tpu.memory_space<vmem>>
        %dma_start3A_67 = tpu.memref_squeeze %dma_start3A_66 : memref<1x32x128xf32, #tpu.memory_space<vmem>> -> memref<32x128xf32, #tpu.memory_space<vmem>>
        %dma_start3A_68 = arith.constant 96 : i32
        %dma_start3A_69 = tpu.memref_slice %arg10[%dma_start3A_68] : memref<256xi32, #tpu.memory_space<vmem>> -> memref<32xi32, #tpu.memory_space<vmem>>
        %dma_start3A_70 = arith.constant 0 : i32
        %dma_start3A_71 = arith.constant 0 : i32
        %dma_start3A_72 = tpu.memref_slice %arg2[%dma_start3A_70, %dma_start3A_71] : memref<10000x128xf32, #tpu.memory_space<hbm>> -> memref<10000x128xf32, #tpu.memory_space<hbm>>
        tpu.enqueue_indirect_dma source(%dma_start3A_72 : memref<10000x128xf32, #tpu.memory_space<hbm>>) target(%dma_start3A_67 : memref<32x128xf32, #tpu.memory_space<vmem>>) offsets(%dma_start3A_69 : memref<32xi32, #tpu.memory_space<vmem>>) semaphore(%arg16 : memref<!tpu.dma_semaphore, #tpu.memory_space<semaphore_mem>>)
        %dma_start3A_73 = arith.constant 4 : i32
        %dma_start3A_74 = arith.constant 0 : i32
        %dma_start3A_75 = arith.constant 0 : i32
        %dma_start3A_76 = tpu.memref_slice %arg12[%dma_start3A_73, %dma_start3A_74, %dma_start3A_75] : memref<8x32x128xf32, #tpu.memory_space<vmem>> -> memref<1x32x128xf32, #tpu.memory_space<vmem>>
        %dma_start3A_77 = tpu.memref_squeeze %dma_start3A_76 : memref<1x32x128xf32, #tpu.memory_space<vmem>> -> memref<32x128xf32, #tpu.memory_space<vmem>>
        %dma_start3A_78 = arith.constant 128 : i32
        %dma_start3A_79 = tpu.memref_slice %arg10[%dma_start3A_78] : memref<256xi32, #tpu.memory_space<vmem>> -> memref<32xi32, #tpu.memory_space<vmem>>
        %dma_start3A_80 = arith.constant 0 : i32
        %dma_start3A_81 = arith.constant 0 : i32
        %dma_start3A_82 = tpu.memref_slice %arg2[%dma_start3A_80, %dma_start3A_81] : memref<10000x128xf32, #tpu.memory_space<hbm>> -> memref<10000x128xf32, #tpu.memory_space<hbm>>
        tpu.enqueue_indirect_dma source(%dma_start3A_82 : memref<10000x128xf32, #tpu.memory_space<hbm>>) target(%dma_start3A_77 : memref<32x128xf32, #tpu.memory_space<vmem>>) offsets(%dma_start3A_79 : memref<32xi32, #tpu.memory_space<vmem>>) semaphore(%arg16 : memref<!tpu.dma_semaphore, #tpu.memory_space<semaphore_mem>>)
        %dma_start3A_83 = arith.constant 5 : i32
        %dma_start3A_84 = arith.constant 0 : i32
        %dma_start3A_85 = arith.constant 0 : i32
        %dma_start3A_86 = tpu.memref_slice %arg12[%dma_start3A_83, %dma_start3A_84, %dma_start3A_85] : memref<8x32x128xf32, #tpu.memory_space<vmem>> -> memref<1x32x128xf32, #tpu.memory_space<vmem>>
        %dma_start3A_87 = tpu.memref_squeeze %dma_start3A_86 : memref<1x32x128xf32, #tpu.memory_space<vmem>> -> memref<32x128xf32, #tpu.memory_space<vmem>>
        %dma_start3A_88 = arith.constant 160 : i32
        %dma_start3A_89 = tpu.memref_slice %arg10[%dma_start3A_88] : memref<256xi32, #tpu.memory_space<vmem>> -> memref<32xi32, #tpu.memory_space<vmem>>
        %dma_start3A_90 = arith.constant 0 : i32
        %dma_start3A_91 = arith.constant 0 : i32
        %dma_start3A_92 = tpu.memref_slice %arg2[%dma_start3A_90, %dma_start3A_91] : memref<10000x128xf32, #tpu.memory_space<hbm>> -> memref<10000x128xf32, #tpu.memory_space<hbm>>
        tpu.enqueue_indirect_dma source(%dma_start3A_92 : memref<10000x128xf32, #tpu.memory_space<hbm>>) target(%dma_start3A_87 : memref<32x128xf32, #tpu.memory_space<vmem>>) offsets(%dma_start3A_89 : memref<32xi32, #tpu.memory_space<vmem>>) semaphore(%arg16 : memref<!tpu.dma_semaphore, #tpu.memory_space<semaphore_mem>>)
        %dma_start3A_93 = arith.constant 6 : i32
        %dma_start3A_94 = arith.constant 0 : i32
        %dma_start3A_95 = arith.constant 0 : i32
        %dma_start3A_96 = tpu.memref_slice %arg12[%dma_start3A_93, %dma_start3A_94, %dma_start3A_95] : memref<8x32x128xf32, #tpu.memory_space<vmem>> -> memref<1x32x128xf32, #tpu.memory_space<vmem>>
        %dma_start3A_97 = tpu.memref_squeeze %dma_start3A_96 : memref<1x32x128xf32, #tpu.memory_space<vmem>> -> memref<32x128xf32, #tpu.memory_space<vmem>>
        %dma_start3A_98 = arith.constant 192 : i32
        %dma_start3A_99 = tpu.memref_slice %arg10[%dma_start3A_98] : memref<256xi32, #tpu.memory_space<vmem>> -> memref<32xi32, #tpu.memory_space<vmem>>
        %dma_start3A_100 = arith.constant 0 : i32
        %dma_start3A_101 = arith.constant 0 : i32
        %dma_start3A_102 = tpu.memref_slice %arg2[%dma_start3A_100, %dma_start3A_101] : memref<10000x128xf32, #tpu.memory_space<hbm>> -> memref<10000x128xf32, #tpu.memory_space<hbm>>
        tpu.enqueue_indirect_dma source(%dma_start3A_102 : memref<10000x128xf32, #tpu.memory_space<hbm>>) target(%dma_start3A_97 : memref<32x128xf32, #tpu.memory_space<vmem>>) offsets(%dma_start3A_99 : memref<32xi32, #tpu.memory_space<vmem>>) semaphore(%arg16 : memref<!tpu.dma_semaphore, #tpu.memory_space<semaphore_mem>>)
        %dma_start3A_103 = arith.constant 7 : i32
        %dma_start3A_104 = arith.constant 0 : i32
        %dma_start3A_105 = arith.constant 0 : i32
        %dma_start3A_106 = tpu.memref_slice %arg12[%dma_start3A_103, %dma_start3A_104, %dma_start3A_105] : memref<8x32x128xf32, #tpu.memory_space<vmem>> -> memref<1x32x128xf32, #tpu.memory_space<vmem>>
        %dma_start3A_107 = tpu.memref_squeeze %dma_start3A_106 : memref<1x32x128xf32, #tpu.memory_space<vmem>> -> memref<32x128xf32, #tpu.memory_space<vmem>>
        %dma_start3A_108 = arith.constant 224 : i32
        %dma_start3A_109 = tpu.memref_slice %arg10[%dma_start3A_108] : memref<256xi32, #tpu.memory_space<vmem>> -> memref<32xi32, #tpu.memory_space<vmem>>
        %dma_start3A_110 = arith.constant 0 : i32
        %dma_start3A_111 = arith.constant 0 : i32
        %dma_start3A_112 = tpu.memref_slice %arg2[%dma_start3A_110, %dma_start3A_111] : memref<10000x128xf32, #tpu.memory_space<hbm>> -> memref<10000x128xf32, #tpu.memory_space<hbm>>
        tpu.enqueue_indirect_dma source(%dma_start3A_112 : memref<10000x128xf32, #tpu.memory_space<hbm>>) target(%dma_start3A_107 : memref<32x128xf32, #tpu.memory_space<vmem>>) offsets(%dma_start3A_109 : memref<32xi32, #tpu.memory_space<vmem>>) semaphore(%arg16 : memref<!tpu.dma_semaphore, #tpu.memory_space<semaphore_mem>>)
        %dma_wait3A = arith.constant 0 : i32
        %dma_wait3A_113 = arith.constant 0 : i32
        %dma_wait3A_114 = arith.constant 0 : i32
        %dma_wait3A_115 = tpu.memref_slice %arg12[%dma_wait3A, %dma_wait3A_113, %dma_wait3A_114] : memref<8x32x128xf32, #tpu.memory_space<vmem>> -> memref<1x32x128xf32, #tpu.memory_space<vmem>>
        %dma_wait3A_116 = tpu.memref_squeeze %dma_wait3A_115 : memref<1x32x128xf32, #tpu.memory_space<vmem>> -> memref<32x128xf32, #tpu.memory_space<vmem>>
        %dma_wait3A_117 = arith.constant 0 : i32
        %dma_wait3A_118 = tpu.memref_slice %arg10[%dma_wait3A_117] : memref<256xi32, #tpu.memory_space<vmem>> -> memref<32xi32, #tpu.memory_space<vmem>>
        %dma_wait3A_119 = arith.constant 0 : i32
        %dma_wait3A_120 = arith.constant 0 : i32
        %dma_wait3A_121 = tpu.memref_slice %arg2[%dma_wait3A_119, %dma_wait3A_120] : memref<10000x128xf32, #tpu.memory_space<hbm>> -> memref<10000x128xf32, #tpu.memory_space<hbm>>
        tpu.wait_indirect_dma semaphore(%arg16 : memref<!tpu.dma_semaphore, #tpu.memory_space<semaphore_mem>>) src(%dma_wait3A_121 : memref<10000x128xf32, #tpu.memory_space<hbm>>) dst(%dma_wait3A_116 : memref<32x128xf32, #tpu.memory_space<vmem>>)
        %dma_wait3A_122 = arith.constant 1 : i32
        %dma_wait3A_123 = arith.constant 0 : i32
        %dma_wait3A_124 = arith.constant 0 : i32
        %dma_wait3A_125 = tpu.memref_slice %arg12[%dma_wait3A_122, %dma_wait3A_123, %dma_wait3A_124] : memref<8x32x128xf32, #tpu.memory_space<vmem>> -> memref<1x32x128xf32, #tpu.memory_space<vmem>>
        %dma_wait3A_126 = tpu.memref_squeeze %dma_wait3A_125 : memref<1x32x128xf32, #tpu.memory_space<vmem>> -> memref<32x128xf32, #tpu.memory_space<vmem>>
        %dma_wait3A_127 = arith.constant 32 : i32
        %dma_wait3A_128 = tpu.memref_slice %arg10[%dma_wait3A_127] : memref<256xi32, #tpu.memory_space<vmem>> -> memref<32xi32, #tpu.memory_space<vmem>>
        %dma_wait3A_129 = arith.constant 0 : i32
        %dma_wait3A_130 = arith.constant 0 : i32
        %dma_wait3A_131 = tpu.memref_slice %arg2[%dma_wait3A_129, %dma_wait3A_130] : memref<10000x128xf32, #tpu.memory_space<hbm>> -> memref<10000x128xf32, #tpu.memory_space<hbm>>
        tpu.wait_indirect_dma semaphore(%arg16 : memref<!tpu.dma_semaphore, #tpu.memory_space<semaphore_mem>>) src(%dma_wait3A_131 : memref<10000x128xf32, #tpu.memory_space<hbm>>) dst(%dma_wait3A_126 : memref<32x128xf32, #tpu.memory_space<vmem>>)
        %dma_wait3A_132 = arith.constant 2 : i32
        %dma_wait3A_133 = arith.constant 0 : i32
        %dma_wait3A_134 = arith.constant 0 : i32
        %dma_wait3A_135 = tpu.memref_slice %arg12[%dma_wait3A_132, %dma_wait3A_133, %dma_wait3A_134] : memref<8x32x128xf32, #tpu.memory_space<vmem>> -> memref<1x32x128xf32, #tpu.memory_space<vmem>>
        %dma_wait3A_136 = tpu.memref_squeeze %dma_wait3A_135 : memref<1x32x128xf32, #tpu.memory_space<vmem>> -> memref<32x128xf32, #tpu.memory_space<vmem>>
        %dma_wait3A_137 = arith.constant 64 : i32
        %dma_wait3A_138 = tpu.memref_slice %arg10[%dma_wait3A_137] : memref<256xi32, #tpu.memory_space<vmem>> -> memref<32xi32, #tpu.memory_space<vmem>>
        %dma_wait3A_139 = arith.constant 0 : i32
        %dma_wait3A_140 = arith.constant 0 : i32
        %dma_wait3A_141 = tpu.memref_slice %arg2[%dma_wait3A_139, %dma_wait3A_140] : memref<10000x128xf32, #tpu.memory_space<hbm>> -> memref<10000x128xf32, #tpu.memory_space<hbm>>
        tpu.wait_indirect_dma semaphore(%arg16 : memref<!tpu.dma_semaphore, #tpu.memory_space<semaphore_mem>>) src(%dma_wait3A_141 : memref<10000x128xf32, #tpu.memory_space<hbm>>) dst(%dma_wait3A_136 : memref<32x128xf32, #tpu.memory_space<vmem>>)
        %dma_wait3A_142 = arith.constant 3 : i32
        %dma_wait3A_143 = arith.constant 0 : i32
        %dma_wait3A_144 = arith.constant 0 : i32
        %dma_wait3A_145 = tpu.memref_slice %arg12[%dma_wait3A_142, %dma_wait3A_143, %dma_wait3A_144] : memref<8x32x128xf32, #tpu.memory_space<vmem>> -> memref<1x32x128xf32, #tpu.memory_space<vmem>>
        %dma_wait3A_146 = tpu.memref_squeeze %dma_wait3A_145 : memref<1x32x128xf32, #tpu.memory_space<vmem>> -> memref<32x128xf32, #tpu.memory_space<vmem>>
        %dma_wait3A_147 = arith.constant 96 : i32
        %dma_wait3A_148 = tpu.memref_slice %arg10[%dma_wait3A_147] : memref<256xi32, #tpu.memory_space<vmem>> -> memref<32xi32, #tpu.memory_space<vmem>>
        %dma_wait3A_149 = arith.constant 0 : i32
        %dma_wait3A_150 = arith.constant 0 : i32
        %dma_wait3A_151 = tpu.memref_slice %arg2[%dma_wait3A_149, %dma_wait3A_150] : memref<10000x128xf32, #tpu.memory_space<hbm>> -> memref<10000x128xf32, #tpu.memory_space<hbm>>
        tpu.wait_indirect_dma semaphore(%arg16 : memref<!tpu.dma_semaphore, #tpu.memory_space<semaphore_mem>>) src(%dma_wait3A_151 : memref<10000x128xf32, #tpu.memory_space<hbm>>) dst(%dma_wait3A_146 : memref<32x128xf32, #tpu.memory_space<vmem>>)
        %dma_wait3A_152 = arith.constant 4 : i32
        %dma_wait3A_153 = arith.constant 0 : i32
        %dma_wait3A_154 = arith.constant 0 : i32
        %dma_wait3A_155 = tpu.memref_slice %arg12[%dma_wait3A_152, %dma_wait3A_153, %dma_wait3A_154] : memref<8x32x128xf32, #tpu.memory_space<vmem>> -> memref<1x32x128xf32, #tpu.memory_space<vmem>>
        %dma_wait3A_156 = tpu.memref_squeeze %dma_wait3A_155 : memref<1x32x128xf32, #tpu.memory_space<vmem>> -> memref<32x128xf32, #tpu.memory_space<vmem>>
        %dma_wait3A_157 = arith.constant 128 : i32
        %dma_wait3A_158 = tpu.memref_slice %arg10[%dma_wait3A_157] : memref<256xi32, #tpu.memory_space<vmem>> -> memref<32xi32, #tpu.memory_space<vmem>>
        %dma_wait3A_159 = arith.constant 0 : i32
        %dma_wait3A_160 = arith.constant 0 : i32
        %dma_wait3A_161 = tpu.memref_slice %arg2[%dma_wait3A_159, %dma_wait3A_160] : memref<10000x128xf32, #tpu.memory_space<hbm>> -> memref<10000x128xf32, #tpu.memory_space<hbm>>
        tpu.wait_indirect_dma semaphore(%arg16 : memref<!tpu.dma_semaphore, #tpu.memory_space<semaphore_mem>>) src(%dma_wait3A_161 : memref<10000x128xf32, #tpu.memory_space<hbm>>) dst(%dma_wait3A_156 : memref<32x128xf32, #tpu.memory_space<vmem>>)
        %dma_wait3A_162 = arith.constant 5 : i32
        %dma_wait3A_163 = arith.constant 0 : i32
        %dma_wait3A_164 = arith.constant 0 : i32
        %dma_wait3A_165 = tpu.memref_slice %arg12[%dma_wait3A_162, %dma_wait3A_163, %dma_wait3A_164] : memref<8x32x128xf32, #tpu.memory_space<vmem>> -> memref<1x32x128xf32, #tpu.memory_space<vmem>>
        %dma_wait3A_166 = tpu.memref_squeeze %dma_wait3A_165 : memref<1x32x128xf32, #tpu.memory_space<vmem>> -> memref<32x128xf32, #tpu.memory_space<vmem>>
        %dma_wait3A_167 = arith.constant 160 : i32
        %dma_wait3A_168 = tpu.memref_slice %arg10[%dma_wait3A_167] : memref<256xi32, #tpu.memory_space<vmem>> -> memref<32xi32, #tpu.memory_space<vmem>>
        %dma_wait3A_169 = arith.constant 0 : i32
        %dma_wait3A_170 = arith.constant 0 : i32
        %dma_wait3A_171 = tpu.memref_slice %arg2[%dma_wait3A_169, %dma_wait3A_170] : memref<10000x128xf32, #tpu.memory_space<hbm>> -> memref<10000x128xf32, #tpu.memory_space<hbm>>
        tpu.wait_indirect_dma semaphore(%arg16 : memref<!tpu.dma_semaphore, #tpu.memory_space<semaphore_mem>>) src(%dma_wait3A_171 : memref<10000x128xf32, #tpu.memory_space<hbm>>) dst(%dma_wait3A_166 : memref<32x128xf32, #tpu.memory_space<vmem>>)
        %dma_wait3A_172 = arith.constant 6 : i32
        %dma_wait3A_173 = arith.constant 0 : i32
        %dma_wait3A_174 = arith.constant 0 : i32
        %dma_wait3A_175 = tpu.memref_slice %arg12[%dma_wait3A_172, %dma_wait3A_173, %dma_wait3A_174] : memref<8x32x128xf32, #tpu.memory_space<vmem>> -> memref<1x32x128xf32, #tpu.memory_space<vmem>>
        %dma_wait3A_176 = tpu.memref_squeeze %dma_wait3A_175 : memref<1x32x128xf32, #tpu.memory_space<vmem>> -> memref<32x128xf32, #tpu.memory_space<vmem>>
        %dma_wait3A_177 = arith.constant 192 : i32
        %dma_wait3A_178 = tpu.memref_slice %arg10[%dma_wait3A_177] : memref<256xi32, #tpu.memory_space<vmem>> -> memref<32xi32, #tpu.memory_space<vmem>>
        %dma_wait3A_179 = arith.constant 0 : i32
        %dma_wait3A_180 = arith.constant 0 : i32
        %dma_wait3A_181 = tpu.memref_slice %arg2[%dma_wait3A_179, %dma_wait3A_180] : memref<10000x128xf32, #tpu.memory_space<hbm>> -> memref<10000x128xf32, #tpu.memory_space<hbm>>
        tpu.wait_indirect_dma semaphore(%arg16 : memref<!tpu.dma_semaphore, #tpu.memory_space<semaphore_mem>>) src(%dma_wait3A_181 : memref<10000x128xf32, #tpu.memory_space<hbm>>) dst(%dma_wait3A_176 : memref<32x128xf32, #tpu.memory_space<vmem>>)
        %dma_wait3A_182 = arith.constant 7 : i32
        %dma_wait3A_183 = arith.constant 0 : i32
        %dma_wait3A_184 = arith.constant 0 : i32
        %dma_wait3A_185 = tpu.memref_slice %arg12[%dma_wait3A_182, %dma_wait3A_183, %dma_wait3A_184] : memref<8x32x128xf32, #tpu.memory_space<vmem>> -> memref<1x32x128xf32, #tpu.memory_space<vmem>>
        %dma_wait3A_186 = tpu.memref_squeeze %dma_wait3A_185 : memref<1x32x128xf32, #tpu.memory_space<vmem>> -> memref<32x128xf32, #tpu.memory_space<vmem>>
        %dma_wait3A_187 = arith.constant 224 : i32
        %dma_wait3A_188 = tpu.memref_slice %arg10[%dma_wait3A_187] : memref<256xi32, #tpu.memory_space<vmem>> -> memref<32xi32, #tpu.memory_space<vmem>>
        %dma_wait3A_189 = arith.constant 0 : i32
        %dma_wait3A_190 = arith.constant 0 : i32
        %dma_wait3A_191 = tpu.memref_slice %arg2[%dma_wait3A_189, %dma_wait3A_190] : memref<10000x128xf32, #tpu.memory_space<hbm>> -> memref<10000x128xf32, #tpu.memory_space<hbm>>
        tpu.wait_indirect_dma semaphore(%arg16 : memref<!tpu.dma_semaphore, #tpu.memory_space<semaphore_mem>>) src(%dma_wait3A_191 : memref<10000x128xf32, #tpu.memory_space<hbm>>) dst(%dma_wait3A_186 : memref<32x128xf32, #tpu.memory_space<vmem>>)
        %dma_start3A_192 = arith.constant 0 : i32
        %dma_start3A_193 = arith.constant 0 : i32
        %dma_start3A_194 = arith.constant 0 : i32
        %dma_start3A_195 = arith.constant 0 : i32
        %dma_start3A_196 = tpu.memref_slice %arg12[%dma_start3A_192, %dma_start3A_194, %dma_start3A_195] : memref<8x32x128xf32, #tpu.memory_space<vmem>> -> memref<1x32x128xf32, #tpu.memory_space<vmem>>
        %dma_start3A_197 = tpu.memref_squeeze %dma_start3A_196 : memref<1x32x128xf32, #tpu.memory_space<vmem>> -> memref<32x128xf32, #tpu.memory_space<vmem>>
        %dma_start3A_198 = arith.constant 0 : i32
        %dma_start3A_199 = tpu.memref_slice %arg11[%dma_start3A_193, %dma_start3A_198] : memref<8x32xi32, #tpu.memory_space<vmem>> -> memref<1x32xi32, #tpu.memory_space<vmem>>
        %dma_start3A_200 = tpu.memref_squeeze %dma_start3A_199 : memref<1x32xi32, #tpu.memory_space<vmem>> -> memref<32xi32, #tpu.memory_space<vmem>>
        %dma_start3A_201 = arith.constant 0 : i32
        %dma_start3A_202 = arith.constant 0 : i32
        %dma_start3A_203 = tpu.memref_slice %arg15[%dma_start3A_201, %dma_start3A_202] : memref<10240x128xf32, #tpu.memory_space<vmem_shared>> -> memref<10240x128xf32, #tpu.memory_space<vmem_shared>>
        tpu.enqueue_indirect_dma source(%dma_start3A_197 : memref<32x128xf32, #tpu.memory_space<vmem>>) target(%dma_start3A_203 : memref<10240x128xf32, #tpu.memory_space<vmem_shared>>) offsets(%dma_start3A_200 : memref<32xi32, #tpu.memory_space<vmem>>) semaphore(%arg17 : memref<!tpu.dma_semaphore, #tpu.memory_space<semaphore_mem>>) {add = true}
        %dma_start3A_204 = arith.constant 1 : i32
        %dma_start3A_205 = arith.constant 1 : i32
        %dma_start3A_206 = arith.constant 0 : i32
        %dma_start3A_207 = arith.constant 0 : i32
        %dma_start3A_208 = tpu.memref_slice %arg12[%dma_start3A_204, %dma_start3A_206, %dma_start3A_207] : memref<8x32x128xf32, #tpu.memory_space<vmem>> -> memref<1x32x128xf32, #tpu.memory_space<vmem>>
        %dma_start3A_209 = tpu.memref_squeeze %dma_start3A_208 : memref<1x32x128xf32, #tpu.memory_space<vmem>> -> memref<32x128xf32, #tpu.memory_space<vmem>>
        %dma_start3A_210 = arith.constant 0 : i32
        %dma_start3A_211 = tpu.memref_slice %arg11[%dma_start3A_205, %dma_start3A_210] : memref<8x32xi32, #tpu.memory_space<vmem>> -> memref<1x32xi32, #tpu.memory_space<vmem>>
        %dma_start3A_212 = tpu.memref_squeeze %dma_start3A_211 : memref<1x32xi32, #tpu.memory_space<vmem>> -> memref<32xi32, #tpu.memory_space<vmem>>
        %dma_start3A_213 = arith.constant 0 : i32
        %dma_start3A_214 = arith.constant 0 : i32
        %dma_start3A_215 = tpu.memref_slice %arg15[%dma_start3A_213, %dma_start3A_214] : memref<10240x128xf32, #tpu.memory_space<vmem_shared>> -> memref<10240x128xf32, #tpu.memory_space<vmem_shared>>
        tpu.enqueue_indirect_dma source(%dma_start3A_209 : memref<32x128xf32, #tpu.memory_space<vmem>>) target(%dma_start3A_215 : memref<10240x128xf32, #tpu.memory_space<vmem_shared>>) offsets(%dma_start3A_212 : memref<32xi32, #tpu.memory_space<vmem>>) semaphore(%arg17 : memref<!tpu.dma_semaphore, #tpu.memory_space<semaphore_mem>>) {add = true}
        %dma_start3A_216 = arith.constant 2 : i32
        %dma_start3A_217 = arith.constant 2 : i32
        %dma_start3A_218 = arith.constant 0 : i32
        %dma_start3A_219 = arith.constant 0 : i32
        %dma_start3A_220 = tpu.memref_slice %arg12[%dma_start3A_216, %dma_start3A_218, %dma_start3A_219] : memref<8x32x128xf32, #tpu.memory_space<vmem>> -> memref<1x32x128xf32, #tpu.memory_space<vmem>>
        %dma_start3A_221 = tpu.memref_squeeze %dma_start3A_220 : memref<1x32x128xf32, #tpu.memory_space<vmem>> -> memref<32x128xf32, #tpu.memory_space<vmem>>
        %dma_start3A_222 = arith.constant 0 : i32
        %dma_start3A_223 = tpu.memref_slice %arg11[%dma_start3A_217, %dma_start3A_222] : memref<8x32xi32, #tpu.memory_space<vmem>> -> memref<1x32xi32, #tpu.memory_space<vmem>>
        %dma_start3A_224 = tpu.memref_squeeze %dma_start3A_223 : memref<1x32xi32, #tpu.memory_space<vmem>> -> memref<32xi32, #tpu.memory_space<vmem>>
        %dma_start3A_225 = arith.constant 0 : i32
        %dma_start3A_226 = arith.constant 0 : i32
        %dma_start3A_227 = tpu.memref_slice %arg15[%dma_start3A_225, %dma_start3A_226] : memref<10240x128xf32, #tpu.memory_space<vmem_shared>> -> memref<10240x128xf32, #tpu.memory_space<vmem_shared>>
        tpu.enqueue_indirect_dma source(%dma_start3A_221 : memref<32x128xf32, #tpu.memory_space<vmem>>) target(%dma_start3A_227 : memref<10240x128xf32, #tpu.memory_space<vmem_shared>>) offsets(%dma_start3A_224 : memref<32xi32, #tpu.memory_space<vmem>>) semaphore(%arg17 : memref<!tpu.dma_semaphore, #tpu.memory_space<semaphore_mem>>) {add = true}
        %dma_start3A_228 = arith.constant 3 : i32
        %dma_start3A_229 = arith.constant 3 : i32
        %dma_start3A_230 = arith.constant 0 : i32
        %dma_start3A_231 = arith.constant 0 : i32
        %dma_start3A_232 = tpu.memref_slice %arg12[%dma_start3A_228, %dma_start3A_230, %dma_start3A_231] : memref<8x32x128xf32, #tpu.memory_space<vmem>> -> memref<1x32x128xf32, #tpu.memory_space<vmem>>
        %dma_start3A_233 = tpu.memref_squeeze %dma_start3A_232 : memref<1x32x128xf32, #tpu.memory_space<vmem>> -> memref<32x128xf32, #tpu.memory_space<vmem>>
        %dma_start3A_234 = arith.constant 0 : i32
        %dma_start3A_235 = tpu.memref_slice %arg11[%dma_start3A_229, %dma_start3A_234] : memref<8x32xi32, #tpu.memory_space<vmem>> -> memref<1x32xi32, #tpu.memory_space<vmem>>
        %dma_start3A_236 = tpu.memref_squeeze %dma_start3A_235 : memref<1x32xi32, #tpu.memory_space<vmem>> -> memref<32xi32, #tpu.memory_space<vmem>>
        %dma_start3A_237 = arith.constant 0 : i32
        %dma_start3A_238 = arith.constant 0 : i32
        %dma_start3A_239 = tpu.memref_slice %arg15[%dma_start3A_237, %dma_start3A_238] : memref<10240x128xf32, #tpu.memory_space<vmem_shared>> -> memref<10240x128xf32, #tpu.memory_space<vmem_shared>>
        tpu.enqueue_indirect_dma source(%dma_start3A_233 : memref<32x128xf32, #tpu.memory_space<vmem>>) target(%dma_start3A_239 : memref<10240x128xf32, #tpu.memory_space<vmem_shared>>) offsets(%dma_start3A_236 : memref<32xi32, #tpu.memory_space<vmem>>) semaphore(%arg17 : memref<!tpu.dma_semaphore, #tpu.memory_space<semaphore_mem>>) {add = true}
        %dma_start3A_240 = arith.constant 4 : i32
        %dma_start3A_241 = arith.constant 4 : i32
        %dma_start3A_242 = arith.constant 0 : i32
        %dma_start3A_243 = arith.constant 0 : i32
        %dma_start3A_244 = tpu.memref_slice %arg12[%dma_start3A_240, %dma_start3A_242, %dma_start3A_243] : memref<8x32x128xf32, #tpu.memory_space<vmem>> -> memref<1x32x128xf32, #tpu.memory_space<vmem>>
        %dma_start3A_245 = tpu.memref_squeeze %dma_start3A_244 : memref<1x32x128xf32, #tpu.memory_space<vmem>> -> memref<32x128xf32, #tpu.memory_space<vmem>>
        %dma_start3A_246 = arith.constant 0 : i32
        %dma_start3A_247 = tpu.memref_slice %arg11[%dma_start3A_241, %dma_start3A_246] : memref<8x32xi32, #tpu.memory_space<vmem>> -> memref<1x32xi32, #tpu.memory_space<vmem>>
        %dma_start3A_248 = tpu.memref_squeeze %dma_start3A_247 : memref<1x32xi32, #tpu.memory_space<vmem>> -> memref<32xi32, #tpu.memory_space<vmem>>
        %dma_start3A_249 = arith.constant 0 : i32
        %dma_start3A_250 = arith.constant 0 : i32
        %dma_start3A_251 = tpu.memref_slice %arg15[%dma_start3A_249, %dma_start3A_250] : memref<10240x128xf32, #tpu.memory_space<vmem_shared>> -> memref<10240x128xf32, #tpu.memory_space<vmem_shared>>
        tpu.enqueue_indirect_dma source(%dma_start3A_245 : memref<32x128xf32, #tpu.memory_space<vmem>>) target(%dma_start3A_251 : memref<10240x128xf32, #tpu.memory_space<vmem_shared>>) offsets(%dma_start3A_248 : memref<32xi32, #tpu.memory_space<vmem>>) semaphore(%arg17 : memref<!tpu.dma_semaphore, #tpu.memory_space<semaphore_mem>>) {add = true}
        %dma_start3A_252 = arith.constant 5 : i32
        %dma_start3A_253 = arith.constant 5 : i32
        %dma_start3A_254 = arith.constant 0 : i32
        %dma_start3A_255 = arith.constant 0 : i32
        %dma_start3A_256 = tpu.memref_slice %arg12[%dma_start3A_252, %dma_start3A_254, %dma_start3A_255] : memref<8x32x128xf32, #tpu.memory_space<vmem>> -> memref<1x32x128xf32, #tpu.memory_space<vmem>>
        %dma_start3A_257 = tpu.memref_squeeze %dma_start3A_256 : memref<1x32x128xf32, #tpu.memory_space<vmem>> -> memref<32x128xf32, #tpu.memory_space<vmem>>
        %dma_start3A_258 = arith.constant 0 : i32
        %dma_start3A_259 = tpu.memref_slice %arg11[%dma_start3A_253, %dma_start3A_258] : memref<8x32xi32, #tpu.memory_space<vmem>> -> memref<1x32xi32, #tpu.memory_space<vmem>>
        %dma_start3A_260 = tpu.memref_squeeze %dma_start3A_259 : memref<1x32xi32, #tpu.memory_space<vmem>> -> memref<32xi32, #tpu.memory_space<vmem>>
        %dma_start3A_261 = arith.constant 0 : i32
        %dma_start3A_262 = arith.constant 0 : i32
        %dma_start3A_263 = tpu.memref_slice %arg15[%dma_start3A_261, %dma_start3A_262] : memref<10240x128xf32, #tpu.memory_space<vmem_shared>> -> memref<10240x128xf32, #tpu.memory_space<vmem_shared>>
        tpu.enqueue_indirect_dma source(%dma_start3A_257 : memref<32x128xf32, #tpu.memory_space<vmem>>) target(%dma_start3A_263 : memref<10240x128xf32, #tpu.memory_space<vmem_shared>>) offsets(%dma_start3A_260 : memref<32xi32, #tpu.memory_space<vmem>>) semaphore(%arg17 : memref<!tpu.dma_semaphore, #tpu.memory_space<semaphore_mem>>) {add = true}
        %dma_start3A_264 = arith.constant 6 : i32
        %dma_start3A_265 = arith.constant 6 : i32
        %dma_start3A_266 = arith.constant 0 : i32
        %dma_start3A_267 = arith.constant 0 : i32
        %dma_start3A_268 = tpu.memref_slice %arg12[%dma_start3A_264, %dma_start3A_266, %dma_start3A_267] : memref<8x32x128xf32, #tpu.memory_space<vmem>> -> memref<1x32x128xf32, #tpu.memory_space<vmem>>
        %dma_start3A_269 = tpu.memref_squeeze %dma_start3A_268 : memref<1x32x128xf32, #tpu.memory_space<vmem>> -> memref<32x128xf32, #tpu.memory_space<vmem>>
        %dma_start3A_270 = arith.constant 0 : i32
        %dma_start3A_271 = tpu.memref_slice %arg11[%dma_start3A_265, %dma_start3A_270] : memref<8x32xi32, #tpu.memory_space<vmem>> -> memref<1x32xi32, #tpu.memory_space<vmem>>
        %dma_start3A_272 = tpu.memref_squeeze %dma_start3A_271 : memref<1x32xi32, #tpu.memory_space<vmem>> -> memref<32xi32, #tpu.memory_space<vmem>>
        %dma_start3A_273 = arith.constant 0 : i32
        %dma_start3A_274 = arith.constant 0 : i32
        %dma_start3A_275 = tpu.memref_slice %arg15[%dma_start3A_273, %dma_start3A_274] : memref<10240x128xf32, #tpu.memory_space<vmem_shared>> -> memref<10240x128xf32, #tpu.memory_space<vmem_shared>>
        tpu.enqueue_indirect_dma source(%dma_start3A_269 : memref<32x128xf32, #tpu.memory_space<vmem>>) target(%dma_start3A_275 : memref<10240x128xf32, #tpu.memory_space<vmem_shared>>) offsets(%dma_start3A_272 : memref<32xi32, #tpu.memory_space<vmem>>) semaphore(%arg17 : memref<!tpu.dma_semaphore, #tpu.memory_space<semaphore_mem>>) {add = true}
        %dma_start3A_276 = arith.constant 7 : i32
        %dma_start3A_277 = arith.constant 7 : i32
        %dma_start3A_278 = arith.constant 0 : i32
        %dma_start3A_279 = arith.constant 0 : i32
        %dma_start3A_280 = tpu.memref_slice %arg12[%dma_start3A_276, %dma_start3A_278, %dma_start3A_279] : memref<8x32x128xf32, #tpu.memory_space<vmem>> -> memref<1x32x128xf32, #tpu.memory_space<vmem>>
        %dma_start3A_281 = tpu.memref_squeeze %dma_start3A_280 : memref<1x32x128xf32, #tpu.memory_space<vmem>> -> memref<32x128xf32, #tpu.memory_space<vmem>>
        %dma_start3A_282 = arith.constant 0 : i32
        %dma_start3A_283 = tpu.memref_slice %arg11[%dma_start3A_277, %dma_start3A_282] : memref<8x32xi32, #tpu.memory_space<vmem>> -> memref<1x32xi32, #tpu.memory_space<vmem>>
        %dma_start3A_284 = tpu.memref_squeeze %dma_start3A_283 : memref<1x32xi32, #tpu.memory_space<vmem>> -> memref<32xi32, #tpu.memory_space<vmem>>
        %dma_start3A_285 = arith.constant 0 : i32
        %dma_start3A_286 = arith.constant 0 : i32
        %dma_start3A_287 = tpu.memref_slice %arg15[%dma_start3A_285, %dma_start3A_286] : memref<10240x128xf32, #tpu.memory_space<vmem_shared>> -> memref<10240x128xf32, #tpu.memory_space<vmem_shared>>
        tpu.enqueue_indirect_dma source(%dma_start3A_281 : memref<32x128xf32, #tpu.memory_space<vmem>>) target(%dma_start3A_287 : memref<10240x128xf32, #tpu.memory_space<vmem_shared>>) offsets(%dma_start3A_284 : memref<32xi32, #tpu.memory_space<vmem>>) semaphore(%arg17 : memref<!tpu.dma_semaphore, #tpu.memory_space<semaphore_mem>>) {add = true}
        %dma_wait3A_288 = arith.constant 0 : i32
        %dma_wait3A_289 = arith.constant 0 : i32
        %dma_wait3A_290 = arith.constant 0 : i32
        %dma_wait3A_291 = arith.constant 0 : i32
        %dma_wait3A_292 = tpu.memref_slice %arg12[%dma_wait3A_288, %dma_wait3A_290, %dma_wait3A_291] : memref<8x32x128xf32, #tpu.memory_space<vmem>> -> memref<1x32x128xf32, #tpu.memory_space<vmem>>
        %dma_wait3A_293 = tpu.memref_squeeze %dma_wait3A_292 : memref<1x32x128xf32, #tpu.memory_space<vmem>> -> memref<32x128xf32, #tpu.memory_space<vmem>>
        %dma_wait3A_294 = arith.constant 0 : i32
        %dma_wait3A_295 = tpu.memref_slice %arg11[%dma_wait3A_289, %dma_wait3A_294] : memref<8x32xi32, #tpu.memory_space<vmem>> -> memref<1x32xi32, #tpu.memory_space<vmem>>
        %dma_wait3A_296 = tpu.memref_squeeze %dma_wait3A_295 : memref<1x32xi32, #tpu.memory_space<vmem>> -> memref<32xi32, #tpu.memory_space<vmem>>
        %dma_wait3A_297 = arith.constant 0 : i32
        %dma_wait3A_298 = arith.constant 0 : i32
        %dma_wait3A_299 = tpu.memref_slice %arg15[%dma_wait3A_297, %dma_wait3A_298] : memref<10240x128xf32, #tpu.memory_space<vmem_shared>> -> memref<10240x128xf32, #tpu.memory_space<vmem_shared>>
        tpu.wait_indirect_dma semaphore(%arg17 : memref<!tpu.dma_semaphore, #tpu.memory_space<semaphore_mem>>) src(%dma_wait3A_293 : memref<32x128xf32, #tpu.memory_space<vmem>>) dst(%dma_wait3A_299 : memref<10240x128xf32, #tpu.memory_space<vmem_shared>>)
        %dma_wait3A_300 = arith.constant 1 : i32
        %dma_wait3A_301 = arith.constant 1 : i32
        %dma_wait3A_302 = arith.constant 0 : i32
        %dma_wait3A_303 = arith.constant 0 : i32
        %dma_wait3A_304 = tpu.memref_slice %arg12[%dma_wait3A_300, %dma_wait3A_302, %dma_wait3A_303] : memref<8x32x128xf32, #tpu.memory_space<vmem>> -> memref<1x32x128xf32, #tpu.memory_space<vmem>>
        %dma_wait3A_305 = tpu.memref_squeeze %dma_wait3A_304 : memref<1x32x128xf32, #tpu.memory_space<vmem>> -> memref<32x128xf32, #tpu.memory_space<vmem>>
        %dma_wait3A_306 = arith.constant 0 : i32
        %dma_wait3A_307 = tpu.memref_slice %arg11[%dma_wait3A_301, %dma_wait3A_306] : memref<8x32xi32, #tpu.memory_space<vmem>> -> memref<1x32xi32, #tpu.memory_space<vmem>>
        %dma_wait3A_308 = tpu.memref_squeeze %dma_wait3A_307 : memref<1x32xi32, #tpu.memory_space<vmem>> -> memref<32xi32, #tpu.memory_space<vmem>>
        %dma_wait3A_309 = arith.constant 0 : i32
        %dma_wait3A_310 = arith.constant 0 : i32
        %dma_wait3A_311 = tpu.memref_slice %arg15[%dma_wait3A_309, %dma_wait3A_310] : memref<10240x128xf32, #tpu.memory_space<vmem_shared>> -> memref<10240x128xf32, #tpu.memory_space<vmem_shared>>
        tpu.wait_indirect_dma semaphore(%arg17 : memref<!tpu.dma_semaphore, #tpu.memory_space<semaphore_mem>>) src(%dma_wait3A_305 : memref<32x128xf32, #tpu.memory_space<vmem>>) dst(%dma_wait3A_311 : memref<10240x128xf32, #tpu.memory_space<vmem_shared>>)
        %dma_wait3A_312 = arith.constant 2 : i32
        %dma_wait3A_313 = arith.constant 2 : i32
        %dma_wait3A_314 = arith.constant 0 : i32
        %dma_wait3A_315 = arith.constant 0 : i32
        %dma_wait3A_316 = tpu.memref_slice %arg12[%dma_wait3A_312, %dma_wait3A_314, %dma_wait3A_315] : memref<8x32x128xf32, #tpu.memory_space<vmem>> -> memref<1x32x128xf32, #tpu.memory_space<vmem>>
        %dma_wait3A_317 = tpu.memref_squeeze %dma_wait3A_316 : memref<1x32x128xf32, #tpu.memory_space<vmem>> -> memref<32x128xf32, #tpu.memory_space<vmem>>
        %dma_wait3A_318 = arith.constant 0 : i32
        %dma_wait3A_319 = tpu.memref_slice %arg11[%dma_wait3A_313, %dma_wait3A_318] : memref<8x32xi32, #tpu.memory_space<vmem>> -> memref<1x32xi32, #tpu.memory_space<vmem>>
        %dma_wait3A_320 = tpu.memref_squeeze %dma_wait3A_319 : memref<1x32xi32, #tpu.memory_space<vmem>> -> memref<32xi32, #tpu.memory_space<vmem>>
        %dma_wait3A_321 = arith.constant 0 : i32
        %dma_wait3A_322 = arith.constant 0 : i32
        %dma_wait3A_323 = tpu.memref_slice %arg15[%dma_wait3A_321, %dma_wait3A_322] : memref<10240x128xf32, #tpu.memory_space<vmem_shared>> -> memref<10240x128xf32, #tpu.memory_space<vmem_shared>>
        tpu.wait_indirect_dma semaphore(%arg17 : memref<!tpu.dma_semaphore, #tpu.memory_space<semaphore_mem>>) src(%dma_wait3A_317 : memref<32x128xf32, #tpu.memory_space<vmem>>) dst(%dma_wait3A_323 : memref<10240x128xf32, #tpu.memory_space<vmem_shared>>)
        %dma_wait3A_324 = arith.constant 3 : i32
        %dma_wait3A_325 = arith.constant 3 : i32
        %dma_wait3A_326 = arith.constant 0 : i32
        %dma_wait3A_327 = arith.constant 0 : i32
        %dma_wait3A_328 = tpu.memref_slice %arg12[%dma_wait3A_324, %dma_wait3A_326, %dma_wait3A_327] : memref<8x32x128xf32, #tpu.memory_space<vmem>> -> memref<1x32x128xf32, #tpu.memory_space<vmem>>
        %dma_wait3A_329 = tpu.memref_squeeze %dma_wait3A_328 : memref<1x32x128xf32, #tpu.memory_space<vmem>> -> memref<32x128xf32, #tpu.memory_space<vmem>>
        %dma_wait3A_330 = arith.constant 0 : i32
        %dma_wait3A_331 = tpu.memref_slice %arg11[%dma_wait3A_325, %dma_wait3A_330] : memref<8x32xi32, #tpu.memory_space<vmem>> -> memref<1x32xi32, #tpu.memory_space<vmem>>
        %dma_wait3A_332 = tpu.memref_squeeze %dma_wait3A_331 : memref<1x32xi32, #tpu.memory_space<vmem>> -> memref<32xi32, #tpu.memory_space<vmem>>
        %dma_wait3A_333 = arith.constant 0 : i32
        %dma_wait3A_334 = arith.constant 0 : i32
        %dma_wait3A_335 = tpu.memref_slice %arg15[%dma_wait3A_333, %dma_wait3A_334] : memref<10240x128xf32, #tpu.memory_space<vmem_shared>> -> memref<10240x128xf32, #tpu.memory_space<vmem_shared>>
        tpu.wait_indirect_dma semaphore(%arg17 : memref<!tpu.dma_semaphore, #tpu.memory_space<semaphore_mem>>) src(%dma_wait3A_329 : memref<32x128xf32, #tpu.memory_space<vmem>>) dst(%dma_wait3A_335 : memref<10240x128xf32, #tpu.memory_space<vmem_shared>>)
        %dma_wait3A_336 = arith.constant 4 : i32
        %dma_wait3A_337 = arith.constant 4 : i32
        %dma_wait3A_338 = arith.constant 0 : i32
        %dma_wait3A_339 = arith.constant 0 : i32
        %dma_wait3A_340 = tpu.memref_slice %arg12[%dma_wait3A_336, %dma_wait3A_338, %dma_wait3A_339] : memref<8x32x128xf32, #tpu.memory_space<vmem>> -> memref<1x32x128xf32, #tpu.memory_space<vmem>>
        %dma_wait3A_341 = tpu.memref_squeeze %dma_wait3A_340 : memref<1x32x128xf32, #tpu.memory_space<vmem>> -> memref<32x128xf32, #tpu.memory_space<vmem>>
        %dma_wait3A_342 = arith.constant 0 : i32
        %dma_wait3A_343 = tpu.memref_slice %arg11[%dma_wait3A_337, %dma_wait3A_342] : memref<8x32xi32, #tpu.memory_space<vmem>> -> memref<1x32xi32, #tpu.memory_space<vmem>>
        %dma_wait3A_344 = tpu.memref_squeeze %dma_wait3A_343 : memref<1x32xi32, #tpu.memory_space<vmem>> -> memref<32xi32, #tpu.memory_space<vmem>>
        %dma_wait3A_345 = arith.constant 0 : i32
        %dma_wait3A_346 = arith.constant 0 : i32
        %dma_wait3A_347 = tpu.memref_slice %arg15[%dma_wait3A_345, %dma_wait3A_346] : memref<10240x128xf32, #tpu.memory_space<vmem_shared>> -> memref<10240x128xf32, #tpu.memory_space<vmem_shared>>
        tpu.wait_indirect_dma semaphore(%arg17 : memref<!tpu.dma_semaphore, #tpu.memory_space<semaphore_mem>>) src(%dma_wait3A_341 : memref<32x128xf32, #tpu.memory_space<vmem>>) dst(%dma_wait3A_347 : memref<10240x128xf32, #tpu.memory_space<vmem_shared>>)
        %dma_wait3A_348 = arith.constant 5 : i32
        %dma_wait3A_349 = arith.constant 5 : i32
        %dma_wait3A_350 = arith.constant 0 : i32
        %dma_wait3A_351 = arith.constant 0 : i32
        %dma_wait3A_352 = tpu.memref_slice %arg12[%dma_wait3A_348, %dma_wait3A_350, %dma_wait3A_351] : memref<8x32x128xf32, #tpu.memory_space<vmem>> -> memref<1x32x128xf32, #tpu.memory_space<vmem>>
        %dma_wait3A_353 = tpu.memref_squeeze %dma_wait3A_352 : memref<1x32x128xf32, #tpu.memory_space<vmem>> -> memref<32x128xf32, #tpu.memory_space<vmem>>
        %dma_wait3A_354 = arith.constant 0 : i32
        %dma_wait3A_355 = tpu.memref_slice %arg11[%dma_wait3A_349, %dma_wait3A_354] : memref<8x32xi32, #tpu.memory_space<vmem>> -> memref<1x32xi32, #tpu.memory_space<vmem>>
        %dma_wait3A_356 = tpu.memref_squeeze %dma_wait3A_355 : memref<1x32xi32, #tpu.memory_space<vmem>> -> memref<32xi32, #tpu.memory_space<vmem>>
        %dma_wait3A_357 = arith.constant 0 : i32
        %dma_wait3A_358 = arith.constant 0 : i32
        %dma_wait3A_359 = tpu.memref_slice %arg15[%dma_wait3A_357, %dma_wait3A_358] : memref<10240x128xf32, #tpu.memory_space<vmem_shared>> -> memref<10240x128xf32, #tpu.memory_space<vmem_shared>>
        tpu.wait_indirect_dma semaphore(%arg17 : memref<!tpu.dma_semaphore, #tpu.memory_space<semaphore_mem>>) src(%dma_wait3A_353 : memref<32x128xf32, #tpu.memory_space<vmem>>) dst(%dma_wait3A_359 : memref<10240x128xf32, #tpu.memory_space<vmem_shared>>)
        %dma_wait3A_360 = arith.constant 6 : i32
        %dma_wait3A_361 = arith.constant 6 : i32
        %dma_wait3A_362 = arith.constant 0 : i32
        %dma_wait3A_363 = arith.constant 0 : i32
        %dma_wait3A_364 = tpu.memref_slice %arg12[%dma_wait3A_360, %dma_wait3A_362, %dma_wait3A_363] : memref<8x32x128xf32, #tpu.memory_space<vmem>> -> memref<1x32x128xf32, #tpu.memory_space<vmem>>
        %dma_wait3A_365 = tpu.memref_squeeze %dma_wait3A_364 : memref<1x32x128xf32, #tpu.memory_space<vmem>> -> memref<32x128xf32, #tpu.memory_space<vmem>>
        %dma_wait3A_366 = arith.constant 0 : i32
        %dma_wait3A_367 = tpu.memref_slice %arg11[%dma_wait3A_361, %dma_wait3A_366] : memref<8x32xi32, #tpu.memory_space<vmem>> -> memref<1x32xi32, #tpu.memory_space<vmem>>
        %dma_wait3A_368 = tpu.memref_squeeze %dma_wait3A_367 : memref<1x32xi32, #tpu.memory_space<vmem>> -> memref<32xi32, #tpu.memory_space<vmem>>
        %dma_wait3A_369 = arith.constant 0 : i32
        %dma_wait3A_370 = arith.constant 0 : i32
        %dma_wait3A_371 = tpu.memref_slice %arg15[%dma_wait3A_369, %dma_wait3A_370] : memref<10240x128xf32, #tpu.memory_space<vmem_shared>> -> memref<10240x128xf32, #tpu.memory_space<vmem_shared>>
        tpu.wait_indirect_dma semaphore(%arg17 : memref<!tpu.dma_semaphore, #tpu.memory_space<semaphore_mem>>) src(%dma_wait3A_365 : memref<32x128xf32, #tpu.memory_space<vmem>>) dst(%dma_wait3A_371 : memref<10240x128xf32, #tpu.memory_space<vmem_shared>>)
        %dma_wait3A_372 = arith.constant 7 : i32
        %dma_wait3A_373 = arith.constant 7 : i32
        %dma_wait3A_374 = arith.constant 0 : i32
        %dma_wait3A_375 = arith.constant 0 : i32
        %dma_wait3A_376 = tpu.memref_slice %arg12[%dma_wait3A_372, %dma_wait3A_374, %dma_wait3A_375] : memref<8x32x128xf32, #tpu.memory_space<vmem>> -> memref<1x32x128xf32, #tpu.memory_space<vmem>>
        %dma_wait3A_377 = tpu.memref_squeeze %dma_wait3A_376 : memref<1x32x128xf32, #tpu.memory_space<vmem>> -> memref<32x128xf32, #tpu.memory_space<vmem>>
        %dma_wait3A_378 = arith.constant 0 : i32
        %dma_wait3A_379 = tpu.memref_slice %arg11[%dma_wait3A_373, %dma_wait3A_378] : memref<8x32xi32, #tpu.memory_space<vmem>> -> memref<1x32xi32, #tpu.memory_space<vmem>>
        %dma_wait3A_380 = tpu.memref_squeeze %dma_wait3A_379 : memref<1x32xi32, #tpu.memory_space<vmem>> -> memref<32xi32, #tpu.memory_space<vmem>>
        %dma_wait3A_381 = arith.constant 0 : i32
        %dma_wait3A_382 = arith.constant 0 : i32
        %dma_wait3A_383 = tpu.memref_slice %arg15[%dma_wait3A_381, %dma_wait3A_382] : memref<10240x128xf32, #tpu.memory_space<vmem_shared>> -> memref<10240x128xf32, #tpu.memory_space<vmem_shared>>
        tpu.wait_indirect_dma semaphore(%arg17 : memref<!tpu.dma_semaphore, #tpu.memory_space<semaphore_mem>>) src(%dma_wait3A_377 : memref<32x128xf32, #tpu.memory_space<vmem>>) dst(%dma_wait3A_383 : memref<10240x128xf32, #tpu.memory_space<vmem_shared>>)
      } else {
      }
    }
    %scan3A_9 = arith.constant 40 : i32
    %broadcast_in_dim3A = arith.constant 1.000000e+00 : f32
    %broadcast_in_dim3A_10 = vector.broadcast %broadcast_in_dim3A : f32 to vector<16xf32>
    %scan3A_11 = arith.constant 0 : i32
    %scan3A_12 = arith.constant 0 : i32
    %scan3A_13 = arith.constant 5 : i32
    %scan3A_14 = arith.addi %scan3A_12, %scan3A_13 : i32
    %scan3A_15 = arith.constant 1 : i32
    scf.for %scan3A_23 = %scan3A_12 to %scan3A_14 step %scan3A_15  : i32 {
      %mul3A_24 = arith.constant 2048 : i32
      %mul3A_25 = arith.muli %scan3A_23, %mul3A_24 : i32
      %add3A_26 = arith.addi %mul3A_4, %mul3A_25 : i32
      "tpu.region"() ({
        %run_scoped3A = tpu.sem_alloc : memref<!tpu.dma_semaphore, #tpu.memory_space<semaphore_mem>>
        %dma_start3A = tpu.memref_slice %arg4[%add3A_26] : memref<327680xi32, #tpu.memory_space<hbm>> -> memref<2048xi32, #tpu.memory_space<hbm>>
        %dma_start3A_282 = tpu.memref_slice %arg4[%add3A_26] : memref<327680xi32, #tpu.memory_space<hbm>> -> memref<2048xi32, #tpu.memory_space<hbm>>
        tpu.enqueue_dma source(%dma_start3A_282 : memref<2048xi32, #tpu.memory_space<hbm>>) target(%arg13 : memref<2048xi32, #tpu.memory_space<vmem>>) target_semaphore(%run_scoped3A : memref<!tpu.dma_semaphore, #tpu.memory_space<semaphore_mem>>)
        %dma_wait3A = tpu.memref_slice %arg4[%add3A_26] : memref<327680xi32, #tpu.memory_space<hbm>> -> memref<2048xi32, #tpu.memory_space<hbm>>
        %dma_wait3A_283 = tpu.memref_slice %arg4[%add3A_26] : memref<327680xi32, #tpu.memory_space<hbm>> -> memref<2048xi32, #tpu.memory_space<hbm>>
        tpu.wait_dma2 semaphore(%run_scoped3A : memref<!tpu.dma_semaphore, #tpu.memory_space<semaphore_mem>>) src(%dma_wait3A_283 : memref<2048xi32, #tpu.memory_space<hbm>>) dst(%arg13 : memref<2048xi32, #tpu.memory_space<vmem>>)
        tpu.yield
      }) : () -> ()
      %get3A = arith.constant 0 : index
      %get3A_27 = tpu.vector_load %arg13[%get3A] {strides = array<i32>} : memref<2048xi32, #tpu.memory_space<vmem>>, vector<16xi32>,
      tpu.vector_store_idx %arg14[%get3A_27], %broadcast_in_dim3A_10 {add = true} : memref<10240xf32, #tpu.memory_space<vmem>>[vector<16xi32>], vector<16xf32>,
      %get3A_28 = arith.constant 16 : index
      %get3A_29 = tpu.vector_load %arg13[%get3A_28] {strides = array<i32>} : memref<2048xi32, #tpu.memory_space<vmem>>, vector<16xi32>,
      tpu.vector_store_idx %arg14[%get3A_29], %broadcast_in_dim3A_10 {add = true} : memref<10240xf32, #tpu.memory_space<vmem>>[vector<16xi32>], vector<16xf32>,
      %get3A_30 = arith.constant 32 : index
      %get3A_31 = tpu.vector_load %arg13[%get3A_30] {strides = array<i32>} : memref<2048xi32, #tpu.memory_space<vmem>>, vector<16xi32>,
      tpu.vector_store_idx %arg14[%get3A_31], %broadcast_in_dim3A_10 {add = true} : memref<10240xf32, #tpu.memory_space<vmem>>[vector<16xi32>], vector<16xf32>,
      %get3A_32 = arith.constant 48 : index
      %get3A_33 = tpu.vector_load %arg13[%get3A_32] {strides = array<i32>} : memref<2048xi32, #tpu.memory_space<vmem>>, vector<16xi32>,
      tpu.vector_store_idx %arg14[%get3A_33], %broadcast_in_dim3A_10 {add = true} : memref<10240xf32, #tpu.memory_space<vmem>>[vector<16xi32>], vector<16xf32>,
      %get3A_34 = arith.constant 64 : index
      %get3A_35 = tpu.vector_load %arg13[%get3A_34] {strides = array<i32>} : memref<2048xi32, #tpu.memory_space<vmem>>, vector<16xi32>,
      tpu.vector_store_idx %arg14[%get3A_35], %broadcast_in_dim3A_10 {add = true} : memref<10240xf32, #tpu.memory_space<vmem>>[vector<16xi32>], vector<16xf32>,
      %get3A_36 = arith.constant 80 : index
      %get3A_37 = tpu.vector_load %arg13[%get3A_36] {strides = array<i32>} : memref<2048xi32, #tpu.memory_space<vmem>>, vector<16xi32>,
      tpu.vector_store_idx %arg14[%get3A_37], %broadcast_in_dim3A_10 {add = true} : memref<10240xf32, #tpu.memory_space<vmem>>[vector<16xi32>], vector<16xf32>,
      %get3A_38 = arith.constant 96 : index
      %get3A_39 = tpu.vector_load %arg13[%get3A_38] {strides = array<i32>} : memref<2048xi32, #tpu.memory_space<vmem>>, vector<16xi32>,
      tpu.vector_store_idx %arg14[%get3A_39], %broadcast_in_dim3A_10 {add = true} : memref<10240xf32, #tpu.memory_space<vmem>>[vector<16xi32>], vector<16xf32>,
      %get3A_40 = arith.constant 112 : index
      %get3A_41 = tpu.vector_load %arg13[%get3A_40] {strides = array<i32>} : memref<2048xi32, #tpu.memory_space<vmem>>, vector<16xi32>,
      tpu.vector_store_idx %arg14[%get3A_41], %broadcast_in_dim3A_10 {add = true} : memref<10240xf32, #tpu.memory_space<vmem>>[vector<16xi32>], vector<16xf32>,
      %get3A_42 = arith.constant 128 : index
      %get3A_43 = tpu.vector_load %arg13[%get3A_42] {strides = array<i32>} : memref<2048xi32, #tpu.memory_space<vmem>>, vector<16xi32>,
      tpu.vector_store_idx %arg14[%get3A_43], %broadcast_in_dim3A_10 {add = true} : memref<10240xf32, #tpu.memory_space<vmem>>[vector<16xi32>], vector<16xf32>,
      %get3A_44 = arith.constant 144 : index
      %get3A_45 = tpu.vector_load %arg13[%get3A_44] {strides = array<i32>} : memref<2048xi32, #tpu.memory_space<vmem>>, vector<16xi32>,
      tpu.vector_store_idx %arg14[%get3A_45], %broadcast_in_dim3A_10 {add = true} : memref<10240xf32, #tpu.memory_space<vmem>>[vector<16xi32>], vector<16xf32>,
      %get3A_46 = arith.constant 160 : index
      %get3A_47 = tpu.vector_load %arg13[%get3A_46] {strides = array<i32>} : memref<2048xi32, #tpu.memory_space<vmem>>, vector<16xi32>,
      tpu.vector_store_idx %arg14[%get3A_47], %broadcast_in_dim3A_10 {add = true} : memref<10240xf32, #tpu.memory_space<vmem>>[vector<16xi32>], vector<16xf32>,
      %get3A_48 = arith.constant 176 : index
      %get3A_49 = tpu.vector_load %arg13[%get3A_48] {strides = array<i32>} : memref<2048xi32, #tpu.memory_space<vmem>>, vector<16xi32>,
      tpu.vector_store_idx %arg14[%get3A_49], %broadcast_in_dim3A_10 {add = true} : memref<10240xf32, #tpu.memory_space<vmem>>[vector<16xi32>], vector<16xf32>,
      %get3A_50 = arith.constant 192 : index
      %get3A_51 = tpu.vector_load %arg13[%get3A_50] {strides = array<i32>} : memref<2048xi32, #tpu.memory_space<vmem>>, vector<16xi32>,
      tpu.vector_store_idx %arg14[%get3A_51], %broadcast_in_dim3A_10 {add = true} : memref<10240xf32, #tpu.memory_space<vmem>>[vector<16xi32>], vector<16xf32>,
      %get3A_52 = arith.constant 208 : index
      %get3A_53 = tpu.vector_load %arg13[%get3A_52] {strides = array<i32>} : memref<2048xi32, #tpu.memory_space<vmem>>, vector<16xi32>,
      tpu.vector_store_idx %arg14[%get3A_53], %broadcast_in_dim3A_10 {add = true} : memref<10240xf32, #tpu.memory_space<vmem>>[vector<16xi32>], vector<16xf32>,
      %get3A_54 = arith.constant 224 : index
      %get3A_55 = tpu.vector_load %arg13[%get3A_54] {strides = array<i32>} : memref<2048xi32, #tpu.memory_space<vmem>>, vector<16xi32>,
      tpu.vector_store_idx %arg14[%get3A_55], %broadcast_in_dim3A_10 {add = true} : memref<10240xf32, #tpu.memory_space<vmem>>[vector<16xi32>], vector<16xf32>,
      %get3A_56 = arith.constant 240 : index
      %get3A_57 = tpu.vector_load %arg13[%get3A_56] {strides = array<i32>} : memref<2048xi32, #tpu.memory_space<vmem>>, vector<16xi32>,
      tpu.vector_store_idx %arg14[%get3A_57], %broadcast_in_dim3A_10 {add = true} : memref<10240xf32, #tpu.memory_space<vmem>>[vector<16xi32>], vector<16xf32>,
      %get3A_58 = arith.constant 256 : index
      %get3A_59 = tpu.vector_load %arg13[%get3A_58] {strides = array<i32>} : memref<2048xi32, #tpu.memory_space<vmem>>, vector<16xi32>,
      tpu.vector_store_idx %arg14[%get3A_59], %broadcast_in_dim3A_10 {add = true} : memref<10240xf32, #tpu.memory_space<vmem>>[vector<16xi32>], vector<16xf32>,
      %get3A_60 = arith.constant 272 : index
      %get3A_61 = tpu.vector_load %arg13[%get3A_60] {strides = array<i32>} : memref<2048xi32, #tpu.memory_space<vmem>>, vector<16xi32>,
      tpu.vector_store_idx %arg14[%get3A_61], %broadcast_in_dim3A_10 {add = true} : memref<10240xf32, #tpu.memory_space<vmem>>[vector<16xi32>], vector<16xf32>,
      %get3A_62 = arith.constant 288 : index
      %get3A_63 = tpu.vector_load %arg13[%get3A_62] {strides = array<i32>} : memref<2048xi32, #tpu.memory_space<vmem>>, vector<16xi32>,
      tpu.vector_store_idx %arg14[%get3A_63], %broadcast_in_dim3A_10 {add = true} : memref<10240xf32, #tpu.memory_space<vmem>>[vector<16xi32>], vector<16xf32>,
      %get3A_64 = arith.constant 304 : index
      %get3A_65 = tpu.vector_load %arg13[%get3A_64] {strides = array<i32>} : memref<2048xi32, #tpu.memory_space<vmem>>, vector<16xi32>,
      tpu.vector_store_idx %arg14[%get3A_65], %broadcast_in_dim3A_10 {add = true} : memref<10240xf32, #tpu.memory_space<vmem>>[vector<16xi32>], vector<16xf32>,
      %get3A_66 = arith.constant 320 : index
      %get3A_67 = tpu.vector_load %arg13[%get3A_66] {strides = array<i32>} : memref<2048xi32, #tpu.memory_space<vmem>>, vector<16xi32>,
      tpu.vector_store_idx %arg14[%get3A_67], %broadcast_in_dim3A_10 {add = true} : memref<10240xf32, #tpu.memory_space<vmem>>[vector<16xi32>], vector<16xf32>,
      %get3A_68 = arith.constant 336 : index
      %get3A_69 = tpu.vector_load %arg13[%get3A_68] {strides = array<i32>} : memref<2048xi32, #tpu.memory_space<vmem>>, vector<16xi32>,
      tpu.vector_store_idx %arg14[%get3A_69], %broadcast_in_dim3A_10 {add = true} : memref<10240xf32, #tpu.memory_space<vmem>>[vector<16xi32>], vector<16xf32>,
      %get3A_70 = arith.constant 352 : index
      %get3A_71 = tpu.vector_load %arg13[%get3A_70] {strides = array<i32>} : memref<2048xi32, #tpu.memory_space<vmem>>, vector<16xi32>,
      tpu.vector_store_idx %arg14[%get3A_71], %broadcast_in_dim3A_10 {add = true} : memref<10240xf32, #tpu.memory_space<vmem>>[vector<16xi32>], vector<16xf32>,
      %get3A_72 = arith.constant 368 : index
      %get3A_73 = tpu.vector_load %arg13[%get3A_72] {strides = array<i32>} : memref<2048xi32, #tpu.memory_space<vmem>>, vector<16xi32>,
      tpu.vector_store_idx %arg14[%get3A_73], %broadcast_in_dim3A_10 {add = true} : memref<10240xf32, #tpu.memory_space<vmem>>[vector<16xi32>], vector<16xf32>,
      %get3A_74 = arith.constant 384 : index
      %get3A_75 = tpu.vector_load %arg13[%get3A_74] {strides = array<i32>} : memref<2048xi32, #tpu.memory_space<vmem>>, vector<16xi32>,
      tpu.vector_store_idx %arg14[%get3A_75], %broadcast_in_dim3A_10 {add = true} : memref<10240xf32, #tpu.memory_space<vmem>>[vector<16xi32>], vector<16xf32>,
      %get3A_76 = arith.constant 400 : index
      %get3A_77 = tpu.vector_load %arg13[%get3A_76] {strides = array<i32>} : memref<2048xi32, #tpu.memory_space<vmem>>, vector<16xi32>,
      tpu.vector_store_idx %arg14[%get3A_77], %broadcast_in_dim3A_10 {add = true} : memref<10240xf32, #tpu.memory_space<vmem>>[vector<16xi32>], vector<16xf32>,
      %get3A_78 = arith.constant 416 : index
      %get3A_79 = tpu.vector_load %arg13[%get3A_78] {strides = array<i32>} : memref<2048xi32, #tpu.memory_space<vmem>>, vector<16xi32>,
      tpu.vector_store_idx %arg14[%get3A_79], %broadcast_in_dim3A_10 {add = true} : memref<10240xf32, #tpu.memory_space<vmem>>[vector<16xi32>], vector<16xf32>,
      %get3A_80 = arith.constant 432 : index
      %get3A_81 = tpu.vector_load %arg13[%get3A_80] {strides = array<i32>} : memref<2048xi32, #tpu.memory_space<vmem>>, vector<16xi32>,
      tpu.vector_store_idx %arg14[%get3A_81], %broadcast_in_dim3A_10 {add = true} : memref<10240xf32, #tpu.memory_space<vmem>>[vector<16xi32>], vector<16xf32>,
      %get3A_82 = arith.constant 448 : index
      %get3A_83 = tpu.vector_load %arg13[%get3A_82] {strides = array<i32>} : memref<2048xi32, #tpu.memory_space<vmem>>, vector<16xi32>,
      tpu.vector_store_idx %arg14[%get3A_83], %broadcast_in_dim3A_10 {add = true} : memref<10240xf32, #tpu.memory_space<vmem>>[vector<16xi32>], vector<16xf32>,
      %get3A_84 = arith.constant 464 : index
      %get3A_85 = tpu.vector_load %arg13[%get3A_84] {strides = array<i32>} : memref<2048xi32, #tpu.memory_space<vmem>>, vector<16xi32>,
      tpu.vector_store_idx %arg14[%get3A_85], %broadcast_in_dim3A_10 {add = true} : memref<10240xf32, #tpu.memory_space<vmem>>[vector<16xi32>], vector<16xf32>,
      %get3A_86 = arith.constant 480 : index
      %get3A_87 = tpu.vector_load %arg13[%get3A_86] {strides = array<i32>} : memref<2048xi32, #tpu.memory_space<vmem>>, vector<16xi32>,
      tpu.vector_store_idx %arg14[%get3A_87], %broadcast_in_dim3A_10 {add = true} : memref<10240xf32, #tpu.memory_space<vmem>>[vector<16xi32>], vector<16xf32>,
      %get3A_88 = arith.constant 496 : index
      %get3A_89 = tpu.vector_load %arg13[%get3A_88] {strides = array<i32>} : memref<2048xi32, #tpu.memory_space<vmem>>, vector<16xi32>,
      tpu.vector_store_idx %arg14[%get3A_89], %broadcast_in_dim3A_10 {add = true} : memref<10240xf32, #tpu.memory_space<vmem>>[vector<16xi32>], vector<16xf32>,
      %get3A_90 = arith.constant 512 : index
      %get3A_91 = tpu.vector_load %arg13[%get3A_90] {strides = array<i32>} : memref<2048xi32, #tpu.memory_space<vmem>>, vector<16xi32>,
      tpu.vector_store_idx %arg14[%get3A_91], %broadcast_in_dim3A_10 {add = true} : memref<10240xf32, #tpu.memory_space<vmem>>[vector<16xi32>], vector<16xf32>,
      %get3A_92 = arith.constant 528 : index
      %get3A_93 = tpu.vector_load %arg13[%get3A_92] {strides = array<i32>} : memref<2048xi32, #tpu.memory_space<vmem>>, vector<16xi32>,
      tpu.vector_store_idx %arg14[%get3A_93], %broadcast_in_dim3A_10 {add = true} : memref<10240xf32, #tpu.memory_space<vmem>>[vector<16xi32>], vector<16xf32>,
      %get3A_94 = arith.constant 544 : index
      %get3A_95 = tpu.vector_load %arg13[%get3A_94] {strides = array<i32>} : memref<2048xi32, #tpu.memory_space<vmem>>, vector<16xi32>,
      tpu.vector_store_idx %arg14[%get3A_95], %broadcast_in_dim3A_10 {add = true} : memref<10240xf32, #tpu.memory_space<vmem>>[vector<16xi32>], vector<16xf32>,
      %get3A_96 = arith.constant 560 : index
      %get3A_97 = tpu.vector_load %arg13[%get3A_96] {strides = array<i32>} : memref<2048xi32, #tpu.memory_space<vmem>>, vector<16xi32>,
      tpu.vector_store_idx %arg14[%get3A_97], %broadcast_in_dim3A_10 {add = true} : memref<10240xf32, #tpu.memory_space<vmem>>[vector<16xi32>], vector<16xf32>,
      %get3A_98 = arith.constant 576 : index
      %get3A_99 = tpu.vector_load %arg13[%get3A_98] {strides = array<i32>} : memref<2048xi32, #tpu.memory_space<vmem>>, vector<16xi32>,
      tpu.vector_store_idx %arg14[%get3A_99], %broadcast_in_dim3A_10 {add = true} : memref<10240xf32, #tpu.memory_space<vmem>>[vector<16xi32>], vector<16xf32>,
      %get3A_100 = arith.constant 592 : index
      %get3A_101 = tpu.vector_load %arg13[%get3A_100] {strides = array<i32>} : memref<2048xi32, #tpu.memory_space<vmem>>, vector<16xi32>,
      tpu.vector_store_idx %arg14[%get3A_101], %broadcast_in_dim3A_10 {add = true} : memref<10240xf32, #tpu.memory_space<vmem>>[vector<16xi32>], vector<16xf32>,
      %get3A_102 = arith.constant 608 : index
      %get3A_103 = tpu.vector_load %arg13[%get3A_102] {strides = array<i32>} : memref<2048xi32, #tpu.memory_space<vmem>>, vector<16xi32>,
      tpu.vector_store_idx %arg14[%get3A_103], %broadcast_in_dim3A_10 {add = true} : memref<10240xf32, #tpu.memory_space<vmem>>[vector<16xi32>], vector<16xf32>,
      %get3A_104 = arith.constant 624 : index
      %get3A_105 = tpu.vector_load %arg13[%get3A_104] {strides = array<i32>} : memref<2048xi32, #tpu.memory_space<vmem>>, vector<16xi32>,
      tpu.vector_store_idx %arg14[%get3A_105], %broadcast_in_dim3A_10 {add = true} : memref<10240xf32, #tpu.memory_space<vmem>>[vector<16xi32>], vector<16xf32>,
      %get3A_106 = arith.constant 640 : index
      %get3A_107 = tpu.vector_load %arg13[%get3A_106] {strides = array<i32>} : memref<2048xi32, #tpu.memory_space<vmem>>, vector<16xi32>,
      tpu.vector_store_idx %arg14[%get3A_107], %broadcast_in_dim3A_10 {add = true} : memref<10240xf32, #tpu.memory_space<vmem>>[vector<16xi32>], vector<16xf32>,
      %get3A_108 = arith.constant 656 : index
      %get3A_109 = tpu.vector_load %arg13[%get3A_108] {strides = array<i32>} : memref<2048xi32, #tpu.memory_space<vmem>>, vector<16xi32>,
      tpu.vector_store_idx %arg14[%get3A_109], %broadcast_in_dim3A_10 {add = true} : memref<10240xf32, #tpu.memory_space<vmem>>[vector<16xi32>], vector<16xf32>,
      %get3A_110 = arith.constant 672 : index
      %get3A_111 = tpu.vector_load %arg13[%get3A_110] {strides = array<i32>} : memref<2048xi32, #tpu.memory_space<vmem>>, vector<16xi32>,
      tpu.vector_store_idx %arg14[%get3A_111], %broadcast_in_dim3A_10 {add = true} : memref<10240xf32, #tpu.memory_space<vmem>>[vector<16xi32>], vector<16xf32>,
      %get3A_112 = arith.constant 688 : index
      %get3A_113 = tpu.vector_load %arg13[%get3A_112] {strides = array<i32>} : memref<2048xi32, #tpu.memory_space<vmem>>, vector<16xi32>,
      tpu.vector_store_idx %arg14[%get3A_113], %broadcast_in_dim3A_10 {add = true} : memref<10240xf32, #tpu.memory_space<vmem>>[vector<16xi32>], vector<16xf32>,
      %get3A_114 = arith.constant 704 : index
      %get3A_115 = tpu.vector_load %arg13[%get3A_114] {strides = array<i32>} : memref<2048xi32, #tpu.memory_space<vmem>>, vector<16xi32>,
      tpu.vector_store_idx %arg14[%get3A_115], %broadcast_in_dim3A_10 {add = true} : memref<10240xf32, #tpu.memory_space<vmem>>[vector<16xi32>], vector<16xf32>,
      %get3A_116 = arith.constant 720 : index
      %get3A_117 = tpu.vector_load %arg13[%get3A_116] {strides = array<i32>} : memref<2048xi32, #tpu.memory_space<vmem>>, vector<16xi32>,
      tpu.vector_store_idx %arg14[%get3A_117], %broadcast_in_dim3A_10 {add = true} : memref<10240xf32, #tpu.memory_space<vmem>>[vector<16xi32>], vector<16xf32>,
      %get3A_118 = arith.constant 736 : index
      %get3A_119 = tpu.vector_load %arg13[%get3A_118] {strides = array<i32>} : memref<2048xi32, #tpu.memory_space<vmem>>, vector<16xi32>,
      tpu.vector_store_idx %arg14[%get3A_119], %broadcast_in_dim3A_10 {add = true} : memref<10240xf32, #tpu.memory_space<vmem>>[vector<16xi32>], vector<16xf32>,
      %get3A_120 = arith.constant 752 : index
      %get3A_121 = tpu.vector_load %arg13[%get3A_120] {strides = array<i32>} : memref<2048xi32, #tpu.memory_space<vmem>>, vector<16xi32>,
      tpu.vector_store_idx %arg14[%get3A_121], %broadcast_in_dim3A_10 {add = true} : memref<10240xf32, #tpu.memory_space<vmem>>[vector<16xi32>], vector<16xf32>,
      %get3A_122 = arith.constant 768 : index
      %get3A_123 = tpu.vector_load %arg13[%get3A_122] {strides = array<i32>} : memref<2048xi32, #tpu.memory_space<vmem>>, vector<16xi32>,
      tpu.vector_store_idx %arg14[%get3A_123], %broadcast_in_dim3A_10 {add = true} : memref<10240xf32, #tpu.memory_space<vmem>>[vector<16xi32>], vector<16xf32>,
      %get3A_124 = arith.constant 784 : index
      %get3A_125 = tpu.vector_load %arg13[%get3A_124] {strides = array<i32>} : memref<2048xi32, #tpu.memory_space<vmem>>, vector<16xi32>,
      tpu.vector_store_idx %arg14[%get3A_125], %broadcast_in_dim3A_10 {add = true} : memref<10240xf32, #tpu.memory_space<vmem>>[vector<16xi32>], vector<16xf32>,
      %get3A_126 = arith.constant 800 : index
      %get3A_127 = tpu.vector_load %arg13[%get3A_126] {strides = array<i32>} : memref<2048xi32, #tpu.memory_space<vmem>>, vector<16xi32>,
      tpu.vector_store_idx %arg14[%get3A_127], %broadcast_in_dim3A_10 {add = true} : memref<10240xf32, #tpu.memory_space<vmem>>[vector<16xi32>], vector<16xf32>,
      %get3A_128 = arith.constant 816 : index
      %get3A_129 = tpu.vector_load %arg13[%get3A_128] {strides = array<i32>} : memref<2048xi32, #tpu.memory_space<vmem>>, vector<16xi32>,
      tpu.vector_store_idx %arg14[%get3A_129], %broadcast_in_dim3A_10 {add = true} : memref<10240xf32, #tpu.memory_space<vmem>>[vector<16xi32>], vector<16xf32>,
      %get3A_130 = arith.constant 832 : index
      %get3A_131 = tpu.vector_load %arg13[%get3A_130] {strides = array<i32>} : memref<2048xi32, #tpu.memory_space<vmem>>, vector<16xi32>,
      tpu.vector_store_idx %arg14[%get3A_131], %broadcast_in_dim3A_10 {add = true} : memref<10240xf32, #tpu.memory_space<vmem>>[vector<16xi32>], vector<16xf32>,
      %get3A_132 = arith.constant 848 : index
      %get3A_133 = tpu.vector_load %arg13[%get3A_132] {strides = array<i32>} : memref<2048xi32, #tpu.memory_space<vmem>>, vector<16xi32>,
      tpu.vector_store_idx %arg14[%get3A_133], %broadcast_in_dim3A_10 {add = true} : memref<10240xf32, #tpu.memory_space<vmem>>[vector<16xi32>], vector<16xf32>,
      %get3A_134 = arith.constant 864 : index
      %get3A_135 = tpu.vector_load %arg13[%get3A_134] {strides = array<i32>} : memref<2048xi32, #tpu.memory_space<vmem>>, vector<16xi32>,
      tpu.vector_store_idx %arg14[%get3A_135], %broadcast_in_dim3A_10 {add = true} : memref<10240xf32, #tpu.memory_space<vmem>>[vector<16xi32>], vector<16xf32>,
      %get3A_136 = arith.constant 880 : index
      %get3A_137 = tpu.vector_load %arg13[%get3A_136] {strides = array<i32>} : memref<2048xi32, #tpu.memory_space<vmem>>, vector<16xi32>,
      tpu.vector_store_idx %arg14[%get3A_137], %broadcast_in_dim3A_10 {add = true} : memref<10240xf32, #tpu.memory_space<vmem>>[vector<16xi32>], vector<16xf32>,
      %get3A_138 = arith.constant 896 : index
      %get3A_139 = tpu.vector_load %arg13[%get3A_138] {strides = array<i32>} : memref<2048xi32, #tpu.memory_space<vmem>>, vector<16xi32>,
      tpu.vector_store_idx %arg14[%get3A_139], %broadcast_in_dim3A_10 {add = true} : memref<10240xf32, #tpu.memory_space<vmem>>[vector<16xi32>], vector<16xf32>,
      %get3A_140 = arith.constant 912 : index
      %get3A_141 = tpu.vector_load %arg13[%get3A_140] {strides = array<i32>} : memref<2048xi32, #tpu.memory_space<vmem>>, vector<16xi32>,
      tpu.vector_store_idx %arg14[%get3A_141], %broadcast_in_dim3A_10 {add = true} : memref<10240xf32, #tpu.memory_space<vmem>>[vector<16xi32>], vector<16xf32>,
      %get3A_142 = arith.constant 928 : index
      %get3A_143 = tpu.vector_load %arg13[%get3A_142] {strides = array<i32>} : memref<2048xi32, #tpu.memory_space<vmem>>, vector<16xi32>,
      tpu.vector_store_idx %arg14[%get3A_143], %broadcast_in_dim3A_10 {add = true} : memref<10240xf32, #tpu.memory_space<vmem>>[vector<16xi32>], vector<16xf32>,
      %get3A_144 = arith.constant 944 : index
      %get3A_145 = tpu.vector_load %arg13[%get3A_144] {strides = array<i32>} : memref<2048xi32, #tpu.memory_space<vmem>>, vector<16xi32>,
      tpu.vector_store_idx %arg14[%get3A_145], %broadcast_in_dim3A_10 {add = true} : memref<10240xf32, #tpu.memory_space<vmem>>[vector<16xi32>], vector<16xf32>,
      %get3A_146 = arith.constant 960 : index
      %get3A_147 = tpu.vector_load %arg13[%get3A_146] {strides = array<i32>} : memref<2048xi32, #tpu.memory_space<vmem>>, vector<16xi32>,
      tpu.vector_store_idx %arg14[%get3A_147], %broadcast_in_dim3A_10 {add = true} : memref<10240xf32, #tpu.memory_space<vmem>>[vector<16xi32>], vector<16xf32>,
      %get3A_148 = arith.constant 976 : index
      %get3A_149 = tpu.vector_load %arg13[%get3A_148] {strides = array<i32>} : memref<2048xi32, #tpu.memory_space<vmem>>, vector<16xi32>,
      tpu.vector_store_idx %arg14[%get3A_149], %broadcast_in_dim3A_10 {add = true} : memref<10240xf32, #tpu.memory_space<vmem>>[vector<16xi32>], vector<16xf32>,
      %get3A_150 = arith.constant 992 : index
      %get3A_151 = tpu.vector_load %arg13[%get3A_150] {strides = array<i32>} : memref<2048xi32, #tpu.memory_space<vmem>>, vector<16xi32>,
      tpu.vector_store_idx %arg14[%get3A_151], %broadcast_in_dim3A_10 {add = true} : memref<10240xf32, #tpu.memory_space<vmem>>[vector<16xi32>], vector<16xf32>,
      %get3A_152 = arith.constant 1008 : index
      %get3A_153 = tpu.vector_load %arg13[%get3A_152] {strides = array<i32>} : memref<2048xi32, #tpu.memory_space<vmem>>, vector<16xi32>,
      tpu.vector_store_idx %arg14[%get3A_153], %broadcast_in_dim3A_10 {add = true} : memref<10240xf32, #tpu.memory_space<vmem>>[vector<16xi32>], vector<16xf32>,
      %get3A_154 = arith.constant 1024 : index
      %get3A_155 = tpu.vector_load %arg13[%get3A_154] {strides = array<i32>} : memref<2048xi32, #tpu.memory_space<vmem>>, vector<16xi32>,
      tpu.vector_store_idx %arg14[%get3A_155], %broadcast_in_dim3A_10 {add = true} : memref<10240xf32, #tpu.memory_space<vmem>>[vector<16xi32>], vector<16xf32>,
      %get3A_156 = arith.constant 1040 : index
      %get3A_157 = tpu.vector_load %arg13[%get3A_156] {strides = array<i32>} : memref<2048xi32, #tpu.memory_space<vmem>>, vector<16xi32>,
      tpu.vector_store_idx %arg14[%get3A_157], %broadcast_in_dim3A_10 {add = true} : memref<10240xf32, #tpu.memory_space<vmem>>[vector<16xi32>], vector<16xf32>,
      %get3A_158 = arith.constant 1056 : index
      %get3A_159 = tpu.vector_load %arg13[%get3A_158] {strides = array<i32>} : memref<2048xi32, #tpu.memory_space<vmem>>, vector<16xi32>,
      tpu.vector_store_idx %arg14[%get3A_159], %broadcast_in_dim3A_10 {add = true} : memref<10240xf32, #tpu.memory_space<vmem>>[vector<16xi32>], vector<16xf32>,
      %get3A_160 = arith.constant 1072 : index
      %get3A_161 = tpu.vector_load %arg13[%get3A_160] {strides = array<i32>} : memref<2048xi32, #tpu.memory_space<vmem>>, vector<16xi32>,
      tpu.vector_store_idx %arg14[%get3A_161], %broadcast_in_dim3A_10 {add = true} : memref<10240xf32, #tpu.memory_space<vmem>>[vector<16xi32>], vector<16xf32>,
      %get3A_162 = arith.constant 1088 : index
      %get3A_163 = tpu.vector_load %arg13[%get3A_162] {strides = array<i32>} : memref<2048xi32, #tpu.memory_space<vmem>>, vector<16xi32>,
      tpu.vector_store_idx %arg14[%get3A_163], %broadcast_in_dim3A_10 {add = true} : memref<10240xf32, #tpu.memory_space<vmem>>[vector<16xi32>], vector<16xf32>,
      %get3A_164 = arith.constant 1104 : index
      %get3A_165 = tpu.vector_load %arg13[%get3A_164] {strides = array<i32>} : memref<2048xi32, #tpu.memory_space<vmem>>, vector<16xi32>,
      tpu.vector_store_idx %arg14[%get3A_165], %broadcast_in_dim3A_10 {add = true} : memref<10240xf32, #tpu.memory_space<vmem>>[vector<16xi32>], vector<16xf32>,
      %get3A_166 = arith.constant 1120 : index
      %get3A_167 = tpu.vector_load %arg13[%get3A_166] {strides = array<i32>} : memref<2048xi32, #tpu.memory_space<vmem>>, vector<16xi32>,
      tpu.vector_store_idx %arg14[%get3A_167], %broadcast_in_dim3A_10 {add = true} : memref<10240xf32, #tpu.memory_space<vmem>>[vector<16xi32>], vector<16xf32>,
      %get3A_168 = arith.constant 1136 : index
      %get3A_169 = tpu.vector_load %arg13[%get3A_168] {strides = array<i32>} : memref<2048xi32, #tpu.memory_space<vmem>>, vector<16xi32>,
      tpu.vector_store_idx %arg14[%get3A_169], %broadcast_in_dim3A_10 {add = true} : memref<10240xf32, #tpu.memory_space<vmem>>[vector<16xi32>], vector<16xf32>,
      %get3A_170 = arith.constant 1152 : index
      %get3A_171 = tpu.vector_load %arg13[%get3A_170] {strides = array<i32>} : memref<2048xi32, #tpu.memory_space<vmem>>, vector<16xi32>,
      tpu.vector_store_idx %arg14[%get3A_171], %broadcast_in_dim3A_10 {add = true} : memref<10240xf32, #tpu.memory_space<vmem>>[vector<16xi32>], vector<16xf32>,
      %get3A_172 = arith.constant 1168 : index
      %get3A_173 = tpu.vector_load %arg13[%get3A_172] {strides = array<i32>} : memref<2048xi32, #tpu.memory_space<vmem>>, vector<16xi32>,
      tpu.vector_store_idx %arg14[%get3A_173], %broadcast_in_dim3A_10 {add = true} : memref<10240xf32, #tpu.memory_space<vmem>>[vector<16xi32>], vector<16xf32>,
      %get3A_174 = arith.constant 1184 : index
      %get3A_175 = tpu.vector_load %arg13[%get3A_174] {strides = array<i32>} : memref<2048xi32, #tpu.memory_space<vmem>>, vector<16xi32>,
      tpu.vector_store_idx %arg14[%get3A_175], %broadcast_in_dim3A_10 {add = true} : memref<10240xf32, #tpu.memory_space<vmem>>[vector<16xi32>], vector<16xf32>,
      %get3A_176 = arith.constant 1200 : index
      %get3A_177 = tpu.vector_load %arg13[%get3A_176] {strides = array<i32>} : memref<2048xi32, #tpu.memory_space<vmem>>, vector<16xi32>,
      tpu.vector_store_idx %arg14[%get3A_177], %broadcast_in_dim3A_10 {add = true} : memref<10240xf32, #tpu.memory_space<vmem>>[vector<16xi32>], vector<16xf32>,
      %get3A_178 = arith.constant 1216 : index
      %get3A_179 = tpu.vector_load %arg13[%get3A_178] {strides = array<i32>} : memref<2048xi32, #tpu.memory_space<vmem>>, vector<16xi32>,
      tpu.vector_store_idx %arg14[%get3A_179], %broadcast_in_dim3A_10 {add = true} : memref<10240xf32, #tpu.memory_space<vmem>>[vector<16xi32>], vector<16xf32>,
      %get3A_180 = arith.constant 1232 : index
      %get3A_181 = tpu.vector_load %arg13[%get3A_180] {strides = array<i32>} : memref<2048xi32, #tpu.memory_space<vmem>>, vector<16xi32>,
      tpu.vector_store_idx %arg14[%get3A_181], %broadcast_in_dim3A_10 {add = true} : memref<10240xf32, #tpu.memory_space<vmem>>[vector<16xi32>], vector<16xf32>,
      %get3A_182 = arith.constant 1248 : index
      %get3A_183 = tpu.vector_load %arg13[%get3A_182] {strides = array<i32>} : memref<2048xi32, #tpu.memory_space<vmem>>, vector<16xi32>,
      tpu.vector_store_idx %arg14[%get3A_183], %broadcast_in_dim3A_10 {add = true} : memref<10240xf32, #tpu.memory_space<vmem>>[vector<16xi32>], vector<16xf32>,
      %get3A_184 = arith.constant 1264 : index
      %get3A_185 = tpu.vector_load %arg13[%get3A_184] {strides = array<i32>} : memref<2048xi32, #tpu.memory_space<vmem>>, vector<16xi32>,
      tpu.vector_store_idx %arg14[%get3A_185], %broadcast_in_dim3A_10 {add = true} : memref<10240xf32, #tpu.memory_space<vmem>>[vector<16xi32>], vector<16xf32>,
      %get3A_186 = arith.constant 1280 : index
      %get3A_187 = tpu.vector_load %arg13[%get3A_186] {strides = array<i32>} : memref<2048xi32, #tpu.memory_space<vmem>>, vector<16xi32>,
      tpu.vector_store_idx %arg14[%get3A_187], %broadcast_in_dim3A_10 {add = true} : memref<10240xf32, #tpu.memory_space<vmem>>[vector<16xi32>], vector<16xf32>,
      %get3A_188 = arith.constant 1296 : index
      %get3A_189 = tpu.vector_load %arg13[%get3A_188] {strides = array<i32>} : memref<2048xi32, #tpu.memory_space<vmem>>, vector<16xi32>,
      tpu.vector_store_idx %arg14[%get3A_189], %broadcast_in_dim3A_10 {add = true} : memref<10240xf32, #tpu.memory_space<vmem>>[vector<16xi32>], vector<16xf32>,
      %get3A_190 = arith.constant 1312 : index
      %get3A_191 = tpu.vector_load %arg13[%get3A_190] {strides = array<i32>} : memref<2048xi32, #tpu.memory_space<vmem>>, vector<16xi32>,
      tpu.vector_store_idx %arg14[%get3A_191], %broadcast_in_dim3A_10 {add = true} : memref<10240xf32, #tpu.memory_space<vmem>>[vector<16xi32>], vector<16xf32>,
      %get3A_192 = arith.constant 1328 : index
      %get3A_193 = tpu.vector_load %arg13[%get3A_192] {strides = array<i32>} : memref<2048xi32, #tpu.memory_space<vmem>>, vector<16xi32>,
      tpu.vector_store_idx %arg14[%get3A_193], %broadcast_in_dim3A_10 {add = true} : memref<10240xf32, #tpu.memory_space<vmem>>[vector<16xi32>], vector<16xf32>,
      %get3A_194 = arith.constant 1344 : index
      %get3A_195 = tpu.vector_load %arg13[%get3A_194] {strides = array<i32>} : memref<2048xi32, #tpu.memory_space<vmem>>, vector<16xi32>,
      tpu.vector_store_idx %arg14[%get3A_195], %broadcast_in_dim3A_10 {add = true} : memref<10240xf32, #tpu.memory_space<vmem>>[vector<16xi32>], vector<16xf32>,
      %get3A_196 = arith.constant 1360 : index
      %get3A_197 = tpu.vector_load %arg13[%get3A_196] {strides = array<i32>} : memref<2048xi32, #tpu.memory_space<vmem>>, vector<16xi32>,
      tpu.vector_store_idx %arg14[%get3A_197], %broadcast_in_dim3A_10 {add = true} : memref<10240xf32, #tpu.memory_space<vmem>>[vector<16xi32>], vector<16xf32>,
      %get3A_198 = arith.constant 1376 : index
      %get3A_199 = tpu.vector_load %arg13[%get3A_198] {strides = array<i32>} : memref<2048xi32, #tpu.memory_space<vmem>>, vector<16xi32>,
      tpu.vector_store_idx %arg14[%get3A_199], %broadcast_in_dim3A_10 {add = true} : memref<10240xf32, #tpu.memory_space<vmem>>[vector<16xi32>], vector<16xf32>,
      %get3A_200 = arith.constant 1392 : index
      %get3A_201 = tpu.vector_load %arg13[%get3A_200] {strides = array<i32>} : memref<2048xi32, #tpu.memory_space<vmem>>, vector<16xi32>,
      tpu.vector_store_idx %arg14[%get3A_201], %broadcast_in_dim3A_10 {add = true} : memref<10240xf32, #tpu.memory_space<vmem>>[vector<16xi32>], vector<16xf32>,
      %get3A_202 = arith.constant 1408 : index
      %get3A_203 = tpu.vector_load %arg13[%get3A_202] {strides = array<i32>} : memref<2048xi32, #tpu.memory_space<vmem>>, vector<16xi32>,
      tpu.vector_store_idx %arg14[%get3A_203], %broadcast_in_dim3A_10 {add = true} : memref<10240xf32, #tpu.memory_space<vmem>>[vector<16xi32>], vector<16xf32>,
      %get3A_204 = arith.constant 1424 : index
      %get3A_205 = tpu.vector_load %arg13[%get3A_204] {strides = array<i32>} : memref<2048xi32, #tpu.memory_space<vmem>>, vector<16xi32>,
      tpu.vector_store_idx %arg14[%get3A_205], %broadcast_in_dim3A_10 {add = true} : memref<10240xf32, #tpu.memory_space<vmem>>[vector<16xi32>], vector<16xf32>,
      %get3A_206 = arith.constant 1440 : index
      %get3A_207 = tpu.vector_load %arg13[%get3A_206] {strides = array<i32>} : memref<2048xi32, #tpu.memory_space<vmem>>, vector<16xi32>,
      tpu.vector_store_idx %arg14[%get3A_207], %broadcast_in_dim3A_10 {add = true} : memref<10240xf32, #tpu.memory_space<vmem>>[vector<16xi32>], vector<16xf32>,
      %get3A_208 = arith.constant 1456 : index
      %get3A_209 = tpu.vector_load %arg13[%get3A_208] {strides = array<i32>} : memref<2048xi32, #tpu.memory_space<vmem>>, vector<16xi32>,
      tpu.vector_store_idx %arg14[%get3A_209], %broadcast_in_dim3A_10 {add = true} : memref<10240xf32, #tpu.memory_space<vmem>>[vector<16xi32>], vector<16xf32>,
      %get3A_210 = arith.constant 1472 : index
      %get3A_211 = tpu.vector_load %arg13[%get3A_210] {strides = array<i32>} : memref<2048xi32, #tpu.memory_space<vmem>>, vector<16xi32>,
      tpu.vector_store_idx %arg14[%get3A_211], %broadcast_in_dim3A_10 {add = true} : memref<10240xf32, #tpu.memory_space<vmem>>[vector<16xi32>], vector<16xf32>,
      %get3A_212 = arith.constant 1488 : index
      %get3A_213 = tpu.vector_load %arg13[%get3A_212] {strides = array<i32>} : memref<2048xi32, #tpu.memory_space<vmem>>, vector<16xi32>,
      tpu.vector_store_idx %arg14[%get3A_213], %broadcast_in_dim3A_10 {add = true} : memref<10240xf32, #tpu.memory_space<vmem>>[vector<16xi32>], vector<16xf32>,
      %get3A_214 = arith.constant 1504 : index
      %get3A_215 = tpu.vector_load %arg13[%get3A_214] {strides = array<i32>} : memref<2048xi32, #tpu.memory_space<vmem>>, vector<16xi32>,
      tpu.vector_store_idx %arg14[%get3A_215], %broadcast_in_dim3A_10 {add = true} : memref<10240xf32, #tpu.memory_space<vmem>>[vector<16xi32>], vector<16xf32>,
      %get3A_216 = arith.constant 1520 : index
      %get3A_217 = tpu.vector_load %arg13[%get3A_216] {strides = array<i32>} : memref<2048xi32, #tpu.memory_space<vmem>>, vector<16xi32>,
      tpu.vector_store_idx %arg14[%get3A_217], %broadcast_in_dim3A_10 {add = true} : memref<10240xf32, #tpu.memory_space<vmem>>[vector<16xi32>], vector<16xf32>,
      %get3A_218 = arith.constant 1536 : index
      %get3A_219 = tpu.vector_load %arg13[%get3A_218] {strides = array<i32>} : memref<2048xi32, #tpu.memory_space<vmem>>, vector<16xi32>,
      tpu.vector_store_idx %arg14[%get3A_219], %broadcast_in_dim3A_10 {add = true} : memref<10240xf32, #tpu.memory_space<vmem>>[vector<16xi32>], vector<16xf32>,
      %get3A_220 = arith.constant 1552 : index
      %get3A_221 = tpu.vector_load %arg13[%get3A_220] {strides = array<i32>} : memref<2048xi32, #tpu.memory_space<vmem>>, vector<16xi32>,
      tpu.vector_store_idx %arg14[%get3A_221], %broadcast_in_dim3A_10 {add = true} : memref<10240xf32, #tpu.memory_space<vmem>>[vector<16xi32>], vector<16xf32>,
      %get3A_222 = arith.constant 1568 : index
      %get3A_223 = tpu.vector_load %arg13[%get3A_222] {strides = array<i32>} : memref<2048xi32, #tpu.memory_space<vmem>>, vector<16xi32>,
      tpu.vector_store_idx %arg14[%get3A_223], %broadcast_in_dim3A_10 {add = true} : memref<10240xf32, #tpu.memory_space<vmem>>[vector<16xi32>], vector<16xf32>,
      %get3A_224 = arith.constant 1584 : index
      %get3A_225 = tpu.vector_load %arg13[%get3A_224] {strides = array<i32>} : memref<2048xi32, #tpu.memory_space<vmem>>, vector<16xi32>,
      tpu.vector_store_idx %arg14[%get3A_225], %broadcast_in_dim3A_10 {add = true} : memref<10240xf32, #tpu.memory_space<vmem>>[vector<16xi32>], vector<16xf32>,
      %get3A_226 = arith.constant 1600 : index
      %get3A_227 = tpu.vector_load %arg13[%get3A_226] {strides = array<i32>} : memref<2048xi32, #tpu.memory_space<vmem>>, vector<16xi32>,
      tpu.vector_store_idx %arg14[%get3A_227], %broadcast_in_dim3A_10 {add = true} : memref<10240xf32, #tpu.memory_space<vmem>>[vector<16xi32>], vector<16xf32>,
      %get3A_228 = arith.constant 1616 : index
      %get3A_229 = tpu.vector_load %arg13[%get3A_228] {strides = array<i32>} : memref<2048xi32, #tpu.memory_space<vmem>>, vector<16xi32>,
      tpu.vector_store_idx %arg14[%get3A_229], %broadcast_in_dim3A_10 {add = true} : memref<10240xf32, #tpu.memory_space<vmem>>[vector<16xi32>], vector<16xf32>,
      %get3A_230 = arith.constant 1632 : index
      %get3A_231 = tpu.vector_load %arg13[%get3A_230] {strides = array<i32>} : memref<2048xi32, #tpu.memory_space<vmem>>, vector<16xi32>,
      tpu.vector_store_idx %arg14[%get3A_231], %broadcast_in_dim3A_10 {add = true} : memref<10240xf32, #tpu.memory_space<vmem>>[vector<16xi32>], vector<16xf32>,
      %get3A_232 = arith.constant 1648 : index
      %get3A_233 = tpu.vector_load %arg13[%get3A_232] {strides = array<i32>} : memref<2048xi32, #tpu.memory_space<vmem>>, vector<16xi32>,
      tpu.vector_store_idx %arg14[%get3A_233], %broadcast_in_dim3A_10 {add = true} : memref<10240xf32, #tpu.memory_space<vmem>>[vector<16xi32>], vector<16xf32>,
      %get3A_234 = arith.constant 1664 : index
      %get3A_235 = tpu.vector_load %arg13[%get3A_234] {strides = array<i32>} : memref<2048xi32, #tpu.memory_space<vmem>>, vector<16xi32>,
      tpu.vector_store_idx %arg14[%get3A_235], %broadcast_in_dim3A_10 {add = true} : memref<10240xf32, #tpu.memory_space<vmem>>[vector<16xi32>], vector<16xf32>,
      %get3A_236 = arith.constant 1680 : index
      %get3A_237 = tpu.vector_load %arg13[%get3A_236] {strides = array<i32>} : memref<2048xi32, #tpu.memory_space<vmem>>, vector<16xi32>,
      tpu.vector_store_idx %arg14[%get3A_237], %broadcast_in_dim3A_10 {add = true} : memref<10240xf32, #tpu.memory_space<vmem>>[vector<16xi32>], vector<16xf32>,
      %get3A_238 = arith.constant 1696 : index
      %get3A_239 = tpu.vector_load %arg13[%get3A_238] {strides = array<i32>} : memref<2048xi32, #tpu.memory_space<vmem>>, vector<16xi32>,
      tpu.vector_store_idx %arg14[%get3A_239], %broadcast_in_dim3A_10 {add = true} : memref<10240xf32, #tpu.memory_space<vmem>>[vector<16xi32>], vector<16xf32>,
      %get3A_240 = arith.constant 1712 : index
      %get3A_241 = tpu.vector_load %arg13[%get3A_240] {strides = array<i32>} : memref<2048xi32, #tpu.memory_space<vmem>>, vector<16xi32>,
      tpu.vector_store_idx %arg14[%get3A_241], %broadcast_in_dim3A_10 {add = true} : memref<10240xf32, #tpu.memory_space<vmem>>[vector<16xi32>], vector<16xf32>,
      %get3A_242 = arith.constant 1728 : index
      %get3A_243 = tpu.vector_load %arg13[%get3A_242] {strides = array<i32>} : memref<2048xi32, #tpu.memory_space<vmem>>, vector<16xi32>,
      tpu.vector_store_idx %arg14[%get3A_243], %broadcast_in_dim3A_10 {add = true} : memref<10240xf32, #tpu.memory_space<vmem>>[vector<16xi32>], vector<16xf32>,
      %get3A_244 = arith.constant 1744 : index
      %get3A_245 = tpu.vector_load %arg13[%get3A_244] {strides = array<i32>} : memref<2048xi32, #tpu.memory_space<vmem>>, vector<16xi32>,
      tpu.vector_store_idx %arg14[%get3A_245], %broadcast_in_dim3A_10 {add = true} : memref<10240xf32, #tpu.memory_space<vmem>>[vector<16xi32>], vector<16xf32>,
      %get3A_246 = arith.constant 1760 : index
      %get3A_247 = tpu.vector_load %arg13[%get3A_246] {strides = array<i32>} : memref<2048xi32, #tpu.memory_space<vmem>>, vector<16xi32>,
      tpu.vector_store_idx %arg14[%get3A_247], %broadcast_in_dim3A_10 {add = true} : memref<10240xf32, #tpu.memory_space<vmem>>[vector<16xi32>], vector<16xf32>,
      %get3A_248 = arith.constant 1776 : index
      %get3A_249 = tpu.vector_load %arg13[%get3A_248] {strides = array<i32>} : memref<2048xi32, #tpu.memory_space<vmem>>, vector<16xi32>,
      tpu.vector_store_idx %arg14[%get3A_249], %broadcast_in_dim3A_10 {add = true} : memref<10240xf32, #tpu.memory_space<vmem>>[vector<16xi32>], vector<16xf32>,
      %get3A_250 = arith.constant 1792 : index
      %get3A_251 = tpu.vector_load %arg13[%get3A_250] {strides = array<i32>} : memref<2048xi32, #tpu.memory_space<vmem>>, vector<16xi32>,
      tpu.vector_store_idx %arg14[%get3A_251], %broadcast_in_dim3A_10 {add = true} : memref<10240xf32, #tpu.memory_space<vmem>>[vector<16xi32>], vector<16xf32>,
      %get3A_252 = arith.constant 1808 : index
      %get3A_253 = tpu.vector_load %arg13[%get3A_252] {strides = array<i32>} : memref<2048xi32, #tpu.memory_space<vmem>>, vector<16xi32>,
      tpu.vector_store_idx %arg14[%get3A_253], %broadcast_in_dim3A_10 {add = true} : memref<10240xf32, #tpu.memory_space<vmem>>[vector<16xi32>], vector<16xf32>,
      %get3A_254 = arith.constant 1824 : index
      %get3A_255 = tpu.vector_load %arg13[%get3A_254] {strides = array<i32>} : memref<2048xi32, #tpu.memory_space<vmem>>, vector<16xi32>,
      tpu.vector_store_idx %arg14[%get3A_255], %broadcast_in_dim3A_10 {add = true} : memref<10240xf32, #tpu.memory_space<vmem>>[vector<16xi32>], vector<16xf32>,
      %get3A_256 = arith.constant 1840 : index
      %get3A_257 = tpu.vector_load %arg13[%get3A_256] {strides = array<i32>} : memref<2048xi32, #tpu.memory_space<vmem>>, vector<16xi32>,
      tpu.vector_store_idx %arg14[%get3A_257], %broadcast_in_dim3A_10 {add = true} : memref<10240xf32, #tpu.memory_space<vmem>>[vector<16xi32>], vector<16xf32>,
      %get3A_258 = arith.constant 1856 : index
      %get3A_259 = tpu.vector_load %arg13[%get3A_258] {strides = array<i32>} : memref<2048xi32, #tpu.memory_space<vmem>>, vector<16xi32>,
      tpu.vector_store_idx %arg14[%get3A_259], %broadcast_in_dim3A_10 {add = true} : memref<10240xf32, #tpu.memory_space<vmem>>[vector<16xi32>], vector<16xf32>,
      %get3A_260 = arith.constant 1872 : index
      %get3A_261 = tpu.vector_load %arg13[%get3A_260] {strides = array<i32>} : memref<2048xi32, #tpu.memory_space<vmem>>, vector<16xi32>,
      tpu.vector_store_idx %arg14[%get3A_261], %broadcast_in_dim3A_10 {add = true} : memref<10240xf32, #tpu.memory_space<vmem>>[vector<16xi32>], vector<16xf32>,
      %get3A_262 = arith.constant 1888 : index
      %get3A_263 = tpu.vector_load %arg13[%get3A_262] {strides = array<i32>} : memref<2048xi32, #tpu.memory_space<vmem>>, vector<16xi32>,
      tpu.vector_store_idx %arg14[%get3A_263], %broadcast_in_dim3A_10 {add = true} : memref<10240xf32, #tpu.memory_space<vmem>>[vector<16xi32>], vector<16xf32>,
      %get3A_264 = arith.constant 1904 : index
      %get3A_265 = tpu.vector_load %arg13[%get3A_264] {strides = array<i32>} : memref<2048xi32, #tpu.memory_space<vmem>>, vector<16xi32>,
      tpu.vector_store_idx %arg14[%get3A_265], %broadcast_in_dim3A_10 {add = true} : memref<10240xf32, #tpu.memory_space<vmem>>[vector<16xi32>], vector<16xf32>,
      %get3A_266 = arith.constant 1920 : index
      %get3A_267 = tpu.vector_load %arg13[%get3A_266] {strides = array<i32>} : memref<2048xi32, #tpu.memory_space<vmem>>, vector<16xi32>,
      tpu.vector_store_idx %arg14[%get3A_267], %broadcast_in_dim3A_10 {add = true} : memref<10240xf32, #tpu.memory_space<vmem>>[vector<16xi32>], vector<16xf32>,
      %get3A_268 = arith.constant 1936 : index
      %get3A_269 = tpu.vector_load %arg13[%get3A_268] {strides = array<i32>} : memref<2048xi32, #tpu.memory_space<vmem>>, vector<16xi32>,
      tpu.vector_store_idx %arg14[%get3A_269], %broadcast_in_dim3A_10 {add = true} : memref<10240xf32, #tpu.memory_space<vmem>>[vector<16xi32>], vector<16xf32>,
      %get3A_270 = arith.constant 1952 : index
      %get3A_271 = tpu.vector_load %arg13[%get3A_270] {strides = array<i32>} : memref<2048xi32, #tpu.memory_space<vmem>>, vector<16xi32>,
      tpu.vector_store_idx %arg14[%get3A_271], %broadcast_in_dim3A_10 {add = true} : memref<10240xf32, #tpu.memory_space<vmem>>[vector<16xi32>], vector<16xf32>,
      %get3A_272 = arith.constant 1968 : index
      %get3A_273 = tpu.vector_load %arg13[%get3A_272] {strides = array<i32>} : memref<2048xi32, #tpu.memory_space<vmem>>, vector<16xi32>,
      tpu.vector_store_idx %arg14[%get3A_273], %broadcast_in_dim3A_10 {add = true} : memref<10240xf32, #tpu.memory_space<vmem>>[vector<16xi32>], vector<16xf32>,
      %get3A_274 = arith.constant 1984 : index
      %get3A_275 = tpu.vector_load %arg13[%get3A_274] {strides = array<i32>} : memref<2048xi32, #tpu.memory_space<vmem>>, vector<16xi32>,
      tpu.vector_store_idx %arg14[%get3A_275], %broadcast_in_dim3A_10 {add = true} : memref<10240xf32, #tpu.memory_space<vmem>>[vector<16xi32>], vector<16xf32>,
      %get3A_276 = arith.constant 2000 : index
      %get3A_277 = tpu.vector_load %arg13[%get3A_276] {strides = array<i32>} : memref<2048xi32, #tpu.memory_space<vmem>>, vector<16xi32>,
      tpu.vector_store_idx %arg14[%get3A_277], %broadcast_in_dim3A_10 {add = true} : memref<10240xf32, #tpu.memory_space<vmem>>[vector<16xi32>], vector<16xf32>,
      %get3A_278 = arith.constant 2016 : index
      %get3A_279 = tpu.vector_load %arg13[%get3A_278] {strides = array<i32>} : memref<2048xi32, #tpu.memory_space<vmem>>, vector<16xi32>,
      tpu.vector_store_idx %arg14[%get3A_279], %broadcast_in_dim3A_10 {add = true} : memref<10240xf32, #tpu.memory_space<vmem>>[vector<16xi32>], vector<16xf32>,
      %get3A_280 = arith.constant 2032 : index
      %get3A_281 = tpu.vector_load %arg13[%get3A_280] {strides = array<i32>} : memref<2048xi32, #tpu.memory_space<vmem>>, vector<16xi32>,
      tpu.vector_store_idx %arg14[%get3A_281], %broadcast_in_dim3A_10 {add = true} : memref<10240xf32, #tpu.memory_space<vmem>>[vector<16xi32>], vector<16xf32>,
    }
    %scan3A_16 = arith.constant 5 : i32
    %barrier3A_17 = arith.constant 0 : index
    tpu.barrier barrier_id(%barrier3A_17)
    %mul3A_18 = arith.constant 10240 : i32
    %mul3A_19 = arith.muli %arg0, %mul3A_18 : i32
    %add3A_20 = arith.addi %mul3A_19, %mul3A_2 : i32
    "tpu.region"() ({
      %run_scoped3A = tpu.sem_alloc : memref<!tpu.dma_semaphore, #tpu.memory_space<semaphore_mem>>
      %dma_start3A = arith.constant 0 : i32
      %dma_start3A_23 = tpu.memref_slice %arg8[%add3A_20, %dma_start3A] : memref<20480x128xf32, #tpu.memory_space<hbm>> -> memref<640x128xf32, #tpu.memory_space<hbm>>
      %dma_start3A_24 = arith.constant 0 : i32
      %dma_start3A_25 = tpu.memref_slice %arg15[%mul3A_2, %dma_start3A_24] : memref<10240x128xf32, #tpu.memory_space<vmem_shared>> -> memref<640x128xf32, #tpu.memory_space<vmem_shared>>
      tpu.enqueue_dma source(%dma_start3A_25 : memref<640x128xf32, #tpu.memory_space<vmem_shared>>) target(%dma_start3A_23 : memref<640x128xf32, #tpu.memory_space<hbm>>) target_semaphore(%run_scoped3A : memref<!tpu.dma_semaphore, #tpu.memory_space<semaphore_mem>>)
      %dma_wait3A = arith.constant 0 : i32
      %dma_wait3A_26 = tpu.memref_slice %arg8[%add3A_20, %dma_wait3A] : memref<20480x128xf32, #tpu.memory_space<hbm>> -> memref<640x128xf32, #tpu.memory_space<hbm>>
      %dma_wait3A_27 = arith.constant 0 : i32
      %dma_wait3A_28 = tpu.memref_slice %arg15[%mul3A_2, %dma_wait3A_27] : memref<10240x128xf32, #tpu.memory_space<vmem_shared>> -> memref<640x128xf32, #tpu.memory_space<vmem_shared>>
      tpu.wait_dma2 semaphore(%run_scoped3A : memref<!tpu.dma_semaphore, #tpu.memory_space<semaphore_mem>>) src(%dma_wait3A_28 : memref<640x128xf32, #tpu.memory_space<vmem_shared>>) dst(%dma_wait3A_26 : memref<640x128xf32, #tpu.memory_space<hbm>>)
      tpu.yield
    }) : () -> ()
    %mul3A_21 = arith.constant 10240 : i32
    %mul3A_22 = arith.muli %add3A, %mul3A_21 : i32
    "tpu.region"() ({
      %run_scoped3A = tpu.sem_alloc : memref<!tpu.dma_semaphore, #tpu.memory_space<semaphore_mem>>
      %dma_start3A = tpu.memref_slice %arg9[%mul3A_22] : memref<327680xf32, #tpu.memory_space<hbm>> -> memref<10240xf32, #tpu.memory_space<hbm>>
      %dma_start3A_23 = tpu.memref_slice %arg9[%mul3A_22] : memref<327680xf32, #tpu.memory_space<hbm>> -> memref<10240xf32, #tpu.memory_space<hbm>>
      tpu.enqueue_dma source(%arg14 : memref<10240xf32, #tpu.memory_space<vmem>>) target(%dma_start3A_23 : memref<10240xf32, #tpu.memory_space<hbm>>) target_semaphore(%run_scoped3A : memref<!tpu.dma_semaphore, #tpu.memory_space<semaphore_mem>>)
      %dma_wait3A = tpu.memref_slice %arg9[%mul3A_22] : memref<327680xf32, #tpu.memory_space<hbm>> -> memref<10240xf32, #tpu.memory_space<hbm>>
      %dma_wait3A_24 = tpu.memref_slice %arg9[%mul3A_22] : memref<327680xf32, #tpu.memory_space<hbm>> -> memref<10240xf32, #tpu.memory_space<hbm>>
      tpu.wait_dma2 semaphore(%run_scoped3A : memref<!tpu.dma_semaphore, #tpu.memory_space<semaphore_mem>>) src(%arg14 : memref<10240xf32, #tpu.memory_space<vmem>>) dst(%dma_wait3A_24 : memref<10240xf32, #tpu.memory_space<hbm>>)
      tpu.yield
    }) : () -> ()
    return
  }
}

module attributes {stable_mosaic.version = 14 : i64} {
  func.func @_tc_degsum_kernel(%arg0: memref<32x80x128xf32, #tpu.memory_space<vmem>>, %arg1: memref<80x128xf32, #tpu.memory_space<vmem>>) attributes {dimension_semantics = [], scalar_prefetch = 0 : i64, scratch_operands = 0 : i64, tpu.core_type = #tpu.core_type<tc>} {
    %get3A = arith.constant 0 : index
    %get3A_0 = arith.constant 0 : index
    %get3A_1 = arith.constant 0 : index
    %get3A_2 = vector.load %arg0[%get3A, %get3A_0, %get3A_1] : memref<32x80x128xf32, #tpu.memory_space<vmem>>, vector<32x80x128xf32>
    %reduce_sum3A = arith.constant dense<0.000000e+00> : vector<80x128xf32>
    %reduce_sum3A_3 = vector.multi_reduction <add>, %get3A_2, %reduce_sum3A [0] : vector<32x80x128xf32> to vector<80x128xf32>
    %max3A = arith.constant 1.000000e+00 : f32
    %max3A_4 = vector.broadcast %max3A : f32 to vector<80x128xf32>
    %max3A_5 = arith.maximumf %reduce_sum3A_3, %max3A_4 : vector<80x128xf32>
    %swap3A = arith.constant 0 : index
    %swap3A_6 = arith.constant 0 : index
    %swap3A_7 = vector.load %arg1[%swap3A, %swap3A_6] : memref<80x128xf32, #tpu.memory_space<vmem>>, vector<80x128xf32>
    tpu.vector_store %arg1[%swap3A, %swap3A_6], %max3A_5 {strides = array<i32>} : memref<80x128xf32, #tpu.memory_space<vmem>>, vector<80x128xf32>,
    return
  }
}

module attributes {stable_mosaic.version = 14 : i64} {
  func.func @_tc_combine_kernel(%arg0: i32, %arg1: memref<2x1000x128xf32, #tpu.memory_space<vmem>>, %arg2: memref<1000x1xf32, #tpu.memory_space<vmem>>, %arg3: memref<1000x128xf32, #tpu.memory_space<vmem>>, %arg4: memref<128x128xf32, #tpu.memory_space<vmem>>, %arg5: memref<128x128xf32, #tpu.memory_space<vmem>>, %arg6: memref<1x128xf32, #tpu.memory_space<vmem>>, %arg7: memref<1000x128xf32, #tpu.memory_space<vmem>>) attributes {dimension_semantics = [#tpu.dimension_semantics<arbitrary>], iteration_bounds = array<i64: 10>, scalar_prefetch = 0 : i64, scratch_operands = 0 : i64, tpu.core_type = #tpu.core_type<tc>, window_params = [{transform_indices = @transform_0, window_bounds = array<i64: 2, 1000, 128>}, {transform_indices = @transform_1, window_bounds = array<i64: 1000, 1>}, {transform_indices = @transform_2, window_bounds = array<i64: 1000, 128>}, {pipeline_mode = #tpu.pipeline_mode<synchronous>, transform_indices = @transform_3, window_bounds = array<i64: 128, 128>}, {pipeline_mode = #tpu.pipeline_mode<synchronous>, transform_indices = @transform_4, window_bounds = array<i64: 128, 128>}, {pipeline_mode = #tpu.pipeline_mode<synchronous>, transform_indices = @transform_5, window_bounds = array<i64: 1, 128>}, {transform_indices = @transform_6, window_bounds = array<i64: 1000, 128>}]} {
    %get3A = arith.constant 0 : index
    %get3A_0 = arith.constant 0 : index
    %get3A_1 = arith.constant 0 : index
    %get3A_2 = vector.load %arg1[%get3A, %get3A_0, %get3A_1] : memref<2x1000x128xf32, #tpu.memory_space<vmem>>, vector<1x1000x128xf32>
    %get3A_3 = vector.shape_cast %get3A_2 : vector<1x1000x128xf32> to vector<1000x128xf32>
    %get3A_4 = arith.constant 1 : index
    %get3A_5 = arith.constant 0 : index
    %get3A_6 = arith.constant 0 : index
    %get3A_7 = vector.load %arg1[%get3A_4, %get3A_5, %get3A_6] : memref<2x1000x128xf32, #tpu.memory_space<vmem>>, vector<1x1000x128xf32>
    %get3A_8 = vector.shape_cast %get3A_7 : vector<1x1000x128xf32> to vector<1000x128xf32>
    %add3A = arith.addf %get3A_3, %get3A_8 : vector<1000x128xf32>
    %get3A_9 = arith.constant 0 : index
    %get3A_10 = arith.constant 0 : index
    %get3A_11 = vector.load %arg2[%get3A_9, %get3A_10] : memref<1000x1xf32, #tpu.memory_space<vmem>>, vector<1000x1xf32>
    %div3A = vector.broadcast %get3A_11 : vector<1000x1xf32> to vector<1000x128xf32>
    %div3A_12 = arith.divf %add3A, %div3A : vector<1000x128xf32>
    %get3A_13 = arith.constant 0 : index
    %get3A_14 = arith.constant 0 : index
    %get3A_15 = vector.load %arg4[%get3A_13, %get3A_14] : memref<128x128xf32, #tpu.memory_space<vmem>>, vector<128x128xf32>
    %dot_general3A = arith.constant dense<0.000000e+00> : vector<1000x128xf32>
    %dot_general3A_16 = tpu.matmul %div3A_12, %get3A_15, %dot_general3A {dimension_numbers = #tpu.dot_dimension_numbers<[1], [0], [0], [1], [0, 0, 1, 1], [], []>, transpose_lhs_hint = false} : vector<1000x128xf32>, vector<128x128xf32>, vector<1000x128xf32> -> vector<1000x128xf32>
    %get3A_17 = arith.constant 0 : index
    %get3A_18 = arith.constant 0 : index
    %get3A_19 = vector.load %arg3[%get3A_17, %get3A_18] : memref<1000x128xf32, #tpu.memory_space<vmem>>, vector<1000x128xf32>
    %get3A_20 = arith.constant 0 : index
    %get3A_21 = arith.constant 0 : index
    %get3A_22 = vector.load %arg5[%get3A_20, %get3A_21] : memref<128x128xf32, #tpu.memory_space<vmem>>, vector<128x128xf32>
    %dot_general3A_23 = arith.constant dense<0.000000e+00> : vector<1000x128xf32>
    %dot_general3A_24 = tpu.matmul %get3A_19, %get3A_22, %dot_general3A_23 {dimension_numbers = #tpu.dot_dimension_numbers<[1], [0], [0], [1], [0, 0, 1, 1], [], []>, transpose_lhs_hint = false} : vector<1000x128xf32>, vector<128x128xf32>, vector<1000x128xf32> -> vector<1000x128xf32>
    %add3A_25 = arith.addf %dot_general3A_16, %dot_general3A_24 : vector<1000x128xf32>
    %get3A_26 = arith.constant 0 : index
    %get3A_27 = arith.constant 0 : index
    %get3A_28 = vector.load %arg6[%get3A_26, %get3A_27] : memref<1x128xf32, #tpu.memory_space<vmem>>, vector<1x128xf32>
    %add3A_29 = vector.broadcast %get3A_28 : vector<1x128xf32> to vector<1000x128xf32>
    %add3A_30 = arith.addf %add3A_25, %add3A_29 : vector<1000x128xf32>
    %max3A = arith.constant 0.000000e+00 : f32
    %max3A_31 = vector.broadcast %max3A : f32 to vector<1000x128xf32>
    %max3A_32 = arith.maximumf %add3A_30, %max3A_31 : vector<1000x128xf32>
    %swap3A = arith.constant 0 : index
    %swap3A_33 = arith.constant 0 : index
    %swap3A_34 = vector.load %arg7[%swap3A, %swap3A_33] : memref<1000x128xf32, #tpu.memory_space<vmem>>, vector<1000x128xf32>
    tpu.vector_store %arg7[%swap3A, %swap3A_33], %max3A_32 {strides = array<i32>} : memref<1000x128xf32, #tpu.memory_space<vmem>>, vector<1000x128xf32>,
    return
  }
  func.func @transform_0(%arg0: i32) -> (i32, i32, i32) {
    %c0_i32 = arith.constant 0 : i32
    %c0_i32_0 = arith.constant 0 : i32
    %c0_i32_1 = arith.constant 0 : i32
    return %c0_i32, %arg0, %c0_i32_0 : i32, i32, i32
  }
  func.func @transform_1(%arg0: i32) -> (i32, i32) {
    %c0_i32 = arith.constant 0 : i32
    %c0_i32_0 = arith.constant 0 : i32
    return %arg0, %c0_i32 : i32, i32
  }
  func.func @transform_2(%arg0: i32) -> (i32, i32) {
    %c0_i32 = arith.constant 0 : i32
    %c0_i32_0 = arith.constant 0 : i32
    return %arg0, %c0_i32 : i32, i32
  }
  func.func @transform_3(%arg0: i32) -> (i32, i32) {
    %c0_i32 = arith.constant 0 : i32
    %c0_i32_0 = arith.constant 0 : i32
    %c0_i32_1 = arith.constant 0 : i32
    return %c0_i32, %c0_i32_0 : i32, i32
  }
  func.func @transform_4(%arg0: i32) -> (i32, i32) {
    %c0_i32 = arith.constant 0 : i32
    %c0_i32_0 = arith.constant 0 : i32
    %c0_i32_1 = arith.constant 0 : i32
    return %c0_i32, %c0_i32_0 : i32, i32
  }
  func.func @transform_5(%arg0: i32) -> (i32, i32) {
    %c0_i32 = arith.constant 0 : i32
    %c0_i32_0 = arith.constant 0 : i32
    %c0_i32_1 = arith.constant 0 : i32
    return %c0_i32, %c0_i32_0 : i32, i32
  }
  func.func @transform_6(%arg0: i32) -> (i32, i32) {
    %c0_i32 = arith.constant 0 : i32
    %c0_i32_0 = arith.constant 0 : i32
    return %arg0, %c0_i32 : i32, i32
  }
}

</mosaic_0001>

<sc_bundles>
// kernel: kernel.5.cloned.1.call-start
scs
__scs_entry_jumppad:
0x0: {  	(pc) =	sbr.rel $0x88, $3  }
0x1: {  	(tag) =	ssettag $0x0;
	lr =	simm.s32 $0x1  }
0x2: {  	[smem:$0x3F9C] =	sst lr;
	_ =	strace $0xD0000000  }
0x3: {  	_ = 	snop  }
0x4: {  	_ = 	snop  }
0x5: {  	_ = 	snop  }
0x6: {  	_ = 	snop  }
0x7: {  	_ = 	snop  }
__scs_overlays_trampoline_lowered:
0x8: {  	[smem:$0x3FAB] =	sst s0  }
0x9: {  	[smem:$0x3FAC] =	sst s1  }
0xa: {  	[smem:$0x3FAD] =	sst s2  }
0xb: {  	[smem:$0x3FAE] =	sst s3  }
0xc: {  	[smem:$0x3FAF] =	sst s4  }
0xd: {  	[smem:$0x3FB0] =	sst s5  }
0xe: {  	[smem:$0x3FB1] =	sst s6  }
0xf: {  	[smem:$0x3FB2] =	sst s7  }
0x10: {  	[smem:$0x3FB3] =	sst s8  }
0x11: {  	[smem:$0x3FB4] =	sst s9;
	s0 =	simm.s32 @!p0 $0x0  }
0x12: {  	s1 =	sld [smem:$0x3F9A];
	s0 =	simm.s32 @p0 $0x1  }
0x13: {  	[smem:$0x3FB5] =	sst s0;
	s0 =	simm.s32 @!p1 $0x0  }
0x14: {  	s2 =	sld [smem:$0x3F99];
	s0 =	simm.s32 @p1 $0x1  }
0x15: {  	[smem:$0x3FB6] =	sst s0;
	s0 =	simm.s32 @!p2 $0x0  }
0x16: {  	s3 =	sld [smem:$0x3FDB];
	s0 =	simm.s32 @p2 $0x1  }
0x17: {  	s4 =	simm.s32 $0x1BF5;
	[smem:$0x3FB8] =	sst s0  }
0x18: {  	s0 =	sld [smem:$0x3F9B];
	_ =	swait.ge [sflag:s4], $0x0  }
0x19: {  	s7 =	sld [smem:$0x3F9C]  }
0x1a: {  	s8 =	sadd.s32 $0xFFFFE003, lr  }
0x1b: {  	s9 =	sadd.s32 $0xFFFFFEF7, lr;
	s5 =	simm.s32 $0xFFFFFFFF;
	p2 =	slt.u32 s8, $0xFFFFF086  }
0x1c: {  	p1 =	slt.u32 s9, $0xF7A;
	s5 =	simm.s32 @!p2 $0x0  }
0x1d: {  	s5 =	simm.s32 @p1 $0x1;
	p0 =	seq.s32 s7, s2  }
0x1e: {  	s7 =	smul.u32 @!p0 $0xF7A, s2;
	p2 =	seq.s32 @!p0 s5, $0x0  }
0x1f: {  	s9 =	smul.u32 $0xF7A, s1;
	s8 =	simm.s32 @!p0 $0x1BF5;
	p2 =	por !p2, p0  }
0x20: {  	[sflag:s8] =	ssyncset.s32 @!p0 $0xFFFFF086;
	s6 =	sadd.s32 @!p0 s3, s7;
	s7 =	simm.s32 @!p0 $0x108  }
0x21: {  	s3 =	sadd.s32 s3, s9;
	s6 =	sadd.s32 @!p0 $0x88, s6;
	s7 =	simm.s32 @p2 $0x1082  }
0x22: {  	[simem:s7], [sflag:s8] =	dma.local @!p0 [hbm:s6], $0xF7A  }
0x23: {  	s9 =	sor.u32 $0xD0000000, s2;
	s6 =	simm.s32 $0x108;
	_ =	swait.ge @!p0 [sflag:s8], $0x0  }
0x24: {  	s3 =	sadd.s32 $0x88, s3;
	s6 =	simm.s32 @!p1 $0x1082;
	[sflag:s4] =	ssyncset.s32 $0xFFFFF086  }
0x25: {  	[simem:s6], [sflag:s4] =	dma.local [hbm:s3], $0xF7A  }
0x26: {  	[smem:$0x3F9C] =	sst s1;
	(tag) =	ssettag s2;
	_ =	strace s9  }
0x27: {  	s1 =	sld [smem:$0x3FAC]  }
0x28: {  	s2 =	sld [smem:$0x3FAD]  }
0x29: {  	s4 =	sld [smem:$0x3FAF]  }
0x2a: {  	p0 =	seq.s32 s5, $0x0;
	s5 =	sld [smem:$0x3FB0]  }
0x2b: {  	s6 =	sld [smem:$0x3FB1]  }
0x2c: {  	s7 =	sld [smem:$0x3FB2]  }
0x2d: {  	s3 =	simm.s32 $0x108;
	s8 =	sld [smem:$0x3FB3]  }
0x2e: {  	s3 =	simm.s32 @!p0 $0x1082;
	s9 =	sld [smem:$0x3FB4]  }
0x2f: {  	lr =	sadd.s32 s0, s3;
	s0 =	sld [smem:$0x3FAB]  }
0x30: {  	s3 =	sld [smem:$0x3FAE]  }
0x31: {  	[smem:$0x3FB7] =	sst s10  }
0x32: {  	s10 =	sld [smem:$0x3FB5];
	_ =	sdelay $0x3  }
0x33: {  	p0 =	seq.s32 s10, $0x1;
	s10 =	sld [smem:$0x3FB7];
	_ =	sdelay $0x3  }
0x34: {  	[smem:$0x3FB7] =	sst s10  }
0x35: {  	s10 =	sld [smem:$0x3FB6];
	_ =	sdelay $0x3  }
0x36: {  	p1 =	seq.s32 s10, $0x1;
	s10 =	sld [smem:$0x3FB7];
	_ =	sdelay $0x3  }
0x37: {  	[smem:$0x3FB7] =	sst s10  }
0x38: {  	s10 =	sld [smem:$0x3FB8]  }
0x39: {  	_ = 	snop;
	(pc) =	sbr.ind lr, $3  }
0x3a: {  	_ = 	snop  }
0x3b: {  	_ = 	snop  }
0x3c: {  	p2 =	seq.s32 s10, $0x1;
	s10 =	sld [smem:$0x3FB7]  }
0x3d: {  	_ =	shalt  }
0x3e: {  	_ =	shalt  }
0x3f: {  	_ =	shalt  }
0x40: {  	_ =	shalt  }
0x41: {  	_ =	shalt  }
0x42: {  	_ =	shalt  }
0x43: {  	_ =	shalt  }
0x44: {  	_ =	shalt  }
0x45: {  	_ =	shalt  }
0x46: {  	_ =	shalt  }
0x47: {  	_ =	shalt  }
0x48: {  	_ =	shalt  }
0x49: {  	_ =	shalt  }
0x4a: {  	_ =	shalt  }
0x4b: {  	_ =	shalt  }
0x4c: {  	_ =	shalt  }
0x4d: {  	_ =	shalt  }
0x4e: {  	_ =	shalt  }
0x4f: {  	_ =	shalt  }
0x50: {  	_ =	shalt  }
0x51: {  	_ =	shalt  }
0x52: {  	_ =	shalt  }
0x53: {  	_ =	shalt  }
0x54: {  	_ =	shalt  }
0x55: {  	_ =	shalt  }
0x56: {  	_ =	shalt  }
0x57: {  	_ =	shalt  }
0x58: {  	_ =	shalt  }
0x59: {  	_ =	shalt  }
0x5a: {  	_ =	shalt  }
0x5b: {  	_ =	shalt  }
0x5c: {  	_ =	shalt  }
0x5d: {  	_ =	shalt  }
0x5e: {  	_ =	shalt  }
0x5f: {  	_ =	shalt  }
0x60: {  	_ =	shalt  }
0x61: {  	_ =	shalt  }
0x62: {  	_ =	shalt  }
0x63: {  	_ =	shalt  }
0x64: {  	_ =	shalt  }
0x65: {  	_ =	shalt  }
0x66: {  	_ =	shalt  }
0x67: {  	_ =	shalt  }
0x68: {  	_ =	shalt  }
0x69: {  	_ =	shalt  }
0x6a: {  	_ =	shalt  }
0x6b: {  	_ =	shalt  }
0x6c: {  	_ =	shalt  }
0x6d: {  	_ =	shalt  }
0x6e: {  	_ =	shalt  }
0x6f: {  	_ =	shalt  }
0x70: {  	_ =	shalt  }
0x71: {  	_ =	shalt  }
0x72: {  	_ =	shalt  }
0x73: {  	_ =	shalt  }
0x74: {  	_ =	shalt  }
0x75: {  	_ =	shalt  }
0x76: {  	_ =	shalt  }
0x77: {  	_ =	shalt  }
0x78: {  	_ =	shalt  }
0x79: {  	_ =	shalt  }
0x7a: {  	_ =	shalt  }
0x7b: {  	_ =	shalt  }
0x7c: {  	_ =	shalt  }
0x7d: {  	_ =	shalt  }
0x7e: {  	_ =	shalt  }
0x7f: {  	_ =	shalt  }
0x80: {  	_ =	shalt  }
0x81: {  	_ =	shalt  }
0x82: {  	_ =	shalt  }
0x83: {  	_ =	shalt  }
0x84: {  	_ =	shalt  }
0x85: {  	_ =	shalt  }
0x86: {  	_ =	shalt  }
0x87: {  	_ =	shalt  }
.Lfunc_end0:
.L_simem_size_0:
called_computation_lowered:
.L_overlay_start_0:
0x88: {  	s2 =	sld [smem:$0x3FD9]  }
0x89: {  	s3 =	sld [smem:$0x3FFE];
	_ =	sdelay $0x1  }
0x8a: {  	s1 =	srdreg.scid  }
0x8b: {  	s0 =	sand.u32 $0x1, s1  }
0x8c: {  	s17 =	sshll.u32 s0, $0xA;
	s2 =	sadd.s32 s3, s2  }
0x8d: {  	s2 =	sadd.s32 s2, s17  }
0x8e: {  	[smem:$0x3FC3] =	sst s2  }
0x8f: {  	_ = 	snop  }
0x90: {  	s2 =	sld [smem:$0x3FC9]  }
0x91: {  	s18 =	sld [smem:$0x3FD0];
	(tm) =	ssettm $0x1  }
0x92: {  	s4 =	sld [smem:$0x3FFB];
	_ =	sdelay $0x3  }
0x93: {  	_ =	strace s4  }
0x94: {  	s4 =	sld [smem:$0x3FFC];
	_ =	sdelay $0x3  }
0x95: {  	_ =	strace s4  }
0x96: {  	s4 =	sld [smem:$0x3FFD];
	_ =	sdelay $0x3  }
0x97: {  	_ =	strace s4  }
0x98: {  	_ =	strace $0x8FFFFFFF  }
0x99: {  	s19 =	sld [smem:$0x3FDB];
	_ =	sdelay $0x1  }
0x9a: {  	s5 =	simm.s32 $_scs_section_size  }
0x9b: {  	s6 =	simm.s32 $_size__tile_overlayer_lowered;
	s7 =	simm.s32 $_tile_overlayer_lowered  }
0x9c: {  	s22 =	simm.s32 $0x1BFF;
	s21 =	sshll.u32 s7, $0x1;
	s4 =	sadd.s32 s5, s19  }
0x9d: {  	s8 =	simm.s32 $0x0;
	s20 =	sshll.u32 s6, $0x1;
	s6 =	sadd.s32 s21, s4  }
0x9e: {  	[timem:s8], [sflag:s22] =	dma.local [hbm:s6], s20  }
0x9f: {  	_ =	swait.ge [sflag:s22], s20  }
0xa0: {  	s5 =	ssub.s32 $0x0, s20;
	[sflag:s22] =	ssyncset.done $0x0  }
0xa1: {  	[sflag:s22] =	ssyncadd.s32 s5;
	_ =	sdelay $0x1  }
0xa2: {  	s23 =	simm.s32 $0x1B8B  }
0xa3: {  	_ =	swait.ge [sflag:s23], $0x1  }
0xa4: {  	[sflag:s23] =	ssyncset.done $0x0  }
0xa5: {  	s25 =	simm.s32 $0x1B8E;
	s24 =	sld [smem:$0x3FFE];
	[sflag:s23] =	ssyncadd.s32 $0xFFFFFFFF  }
0xa6: {  	s26 =	simm.s32 $execute0_lowered;
	[smem:$0x3FD2] =	sst s25  }
0xa7: {  	s6 =	sshll.u32 s26, $0x1;
	_ =	strace $0x80000046;
	[dreg:$0x1] =	wrdreg $0xFFFFFFFF  }
0xa8: {  	s28 =	simm.s32 $_size_execute0_lowered;
	s4 =	sadd.s32 s4, s6;
	[dreg:$0x0] =	wrdreg $0x0  }
0xa9: {  	s6 =	sshll.u32 s28, $0x1;
	[dreg:$0x2] =	wrdreg s4  }
0xaa: {  	[dreg:$0x3] =	wrdreg s6  }
0xab: {  	[dreg:$0x4] =	wrdreg $0xC0  }
0xac: {  	_ =	task [dreg:s8], $0x5FFFF  }
0xad: {  	[dreg:$0x1] =	wrdreg $0xFFFFFFFF  }
0xae: {  	[dreg:$0x0] =	wrdreg $0x60  }
0xaf: {  	[dreg:$0x2] =	wrdreg s2  }
0xb0: {  	[dreg:$0x3] =	wrdreg s18  }
0xb1: {  	[dreg:$0x4] =	wrdreg s24  }
0xb2: {  	[dreg:$0x5] =	wrdreg $0xB5000  }
0xb3: {  	[dreg:$0x6] =	wrdreg $0x9  }
0xb4: {  	_ =	task.clear_ibuf [dreg:s8], $0x7FFFF;
	_ =	strace $0x90000046  }
0xb5: {  	s29 =	simm.s32 $0x9;
	_ =	strace $0x80000048  }
0xb6: {  	_ =	swait.ge [sflag:s29], $0x1  }
0xb7: {  	[sflag:s29] =	ssyncadd.s32 $0xFFFFFFFF  }
0xb8: {  	_ =	strace $0x90000048  }
0xb9: {  	_ =	sfence  }
0xba: {  	s30 =	sld [smem:$0x0];
	_ =	sdelay $0x2  }
0xbb: {  	s31 =	sshll.u32 s1, $0xD;
	s1 =	sshrl.u32 s1, $0x2  }
0xbc: {  	s3 =	sand.u32 $0x4000, s31;
	s1 =	sadd.s32 s1, s30  }
0xbd: {  	s0 =	sor.u32 s3, s0;
	s1 =	sshll.u32 s1, $0x11  }
0xbe: {  	s0 =	sor.u32 s1, s0  }
0xbf: {  	s0 =	sadd.s32 $0x8F2B, s0  }
0xc0: {  	[sflag:s0] =	ssyncadd.remote.s32 $0x1  }
0xc1: {  	_ =	sfence.sel $0xFFFF  }
0xc2: {  	[dreg:$0x0] =	wrdreg $0xFFFFFFFF;
	(pc) =	sbr.abs _section_cstart, $3  }
0xc3: {  	[dreg:$0x1] =	wrdreg $0xFFFFFFFF  }
0xc4: {  	_ =	task.clear_ibuf [dreg:s8], $0x2FFFF;
	_ =	strace $0x9FFFFFFF  }
0xc5: {  	(tm) =	ssettm $0x7FFFFFFF  }
tec
execute0_lowered:
.L_overlay_start_1:
0x0: {  	(tag) =	ssettag $0x1  }
0x1: {  	s1 =	rddreg [dreg:$0x0]  }
0x2: {  	s0 =	rddreg [dreg:$0x1]  }
0x3: {  	s2 =	rddreg [dreg:$0x2];
	s4 =	srdreg.scid  }
0x4: {  	s14 =	stileid.u32;
	s3 =	rddreg [dreg:$0x3];
	s16 =	simm.s32 $0x3  }
0x5: {  	s28 =	simm.s32 $0x4500;
	s30 =	simm.s32 $0x5500;
	s6 =	smul.u32 $0x5000, s14  }
0x6: {  	s15 =	simm.s32 $0x480;
	s31 =	simm.s32 $0x0;
	s17 =	smul.u32 $0x2800, s14  }
0x7: {  	s5 =	sand.u32 $0x1, s4;
	s4 =	simm.s32 $0x0;
	s19 =	smul.u32 $0x50000, s14  }
0x8: {  	s8 =	sshll.u32 s14, $0x1;
	s12 =	sadd.s32 $0x33400, s2;
	s7 =	smul.u32 $0x2800, s5  }
0x9: {  	s22 =	sshll.u32 s14, $0x6;
	[smem:$0x7FF] =	sst s4;
	s10 =	smul.u32 $0x28000, s5  }
0xa: {  	s8 =	sor.u32 s5, s8;
	s18 =	ssub.s32 $0x2, s5;
	s5 =	smul.u32 $0x1400, s5  }
0xb: {  	s26 =	sor.u32 $0x1C03, s22;
	s22 =	simm.s32 $0x2;
	_ =	strace $0x80000047  }
0xc: {  	s11 =	sadd.s32 s17, s2;
	[dreg:$0x6] =	wrdreg s12;
	s8 =	smul.u32 $0x2800, s8  }
0xd: {  	s13 =	sshrl.u32 s18, $0x1;
	s21 =	sshrl.u32 s19, $0x2;
	s19 =	simm.s32 $0x20  }
0xe: {  	s12 =	simm.s32 $0x380;
	[dreg:$0x8] =	wrdreg s26;
	s6 =	sadd.s32 s7, s6  }
0xf: {  	s7 =	sadd.s32 s17, s10;
	s20 =	ssub.s32 s18, s13;
	s10 =	sadd.s32 s21, s3  }
0x10: {  	s23 =	sadd.s32 $0x33A00, s11;
	s25 =	sadd.s32 s5, s11;
	s17 =	simm.s32 $0x8D00  }
0x11: {  	s18 =	simm.s32 $0x100;
	s21 =	simm.s32 $0x1500;
	s5 =	simm.s32 $0x1  }
0x12: {  	s11 =	simm.s32 $0x300;
	[dreg:$0x5] =	wrdreg s6;
	s6 =	sshrl.u32 s6, $0x3  }
0x13: {  	s7 =	sadd.s32 s7, s2;
	s8 =	sshrl.u32 s8, $0x3;
	[dreg:$0x7] =	wrdreg s23  }
0x14: {  	s24 =	smax.u32 s20, $0x1;
	s29 =	sshrl.u32 s10, $0x3;
	s20 =	simm.s32 $0x500  }
0x15: {  	s23 =	simm.s32 $0x2500;
	s10 =	simm.s32 $0x280;
	s9 =	sadd.s32 s6, s2  }
0x16: {  	s2 =	sadd.s32 s8, s2;
	s7 =	sadd.s32 $0x65A00, s7;
	[dreg:$0xb] =	wrdreg s24  }
0x17: {  	s13 =	sadd.s32 s6, s0;
	s6 =	simm.s32 $0x7500;
	[dreg:$0xd] =	wrdreg s29  }
0x18: {  	s8 =	simm.s32 $0x400;
	s24 =	simm.s32 $0x8500;
	[dreg:$0x9] =	wrdreg s7  }
0x19: {  	s2 =	sadd.s32 $0x5BA00, s2;
	s14 =	sadd.s32 $0x1400, s9;
	s7 =	simm.s32 $0x180  }
0x1a: {  	s9 =	simm.s32 $0x200;
	[dreg:$0xa] =	wrdreg s2;
	s2 =	sadd.s32 $0xB400, s25  }
0x1b: {  	v0 =	vimm.f32 $1.000000000e+00;
	s25 =	simm.s32 $0x3500;
	[dreg:$0xc] =	wrdreg s2;
	s2 =	simm.s32 $0x6500  }
.LBB2_1:
0x1c: {  	[dreg:$0xe] =	wrdreg s31  }
0x1d: {  	s0 =	rddreg [dreg:$0x7]  }
0x1e: {  	[spmem:s29], [sflag:s26] =	dma.local [hbm:s0], $0x2800  }
0x1f: {  	_ =	swait.ge [sflag:s16], $0x2800  }
0x20: {  	[sflag:s16] =	ssyncset.done $0x0  }
0x21: {  	s26 =	rddreg [dreg:$0x6];
	[sflag:s16] =	ssyncadd.s32 $0xFFFFD800  }
0x22: {  	[tilespmem:s17], [sflag:$0x3] =	stream.linear.gather [hbm4b:s26+s4], $0x2800, $0x38;
	[tilespmem:$0x1F500] =	vst v63  }
0x23: {  	_ =	swait.ge [sflag:s16], $0x2800  }
.Ltmp0:
0x24: {  	[sflag:s16] =	ssyncset.done $0x0;
	(pc) =	sbr.rel .LBB2_2-.Ltmp0, $4  }
0x25: {  	[sflag:s16] =	ssyncadd.s32 $0xFFFFD800  }
0x26: {  	[bflag:$0x0] =	sbarrier.arrive $0xFFFF  }
0x27: {  	s26 =	rddreg [dreg:$0x5]  }
0x28: {  	s31 =	simm.s32 $0x0;
	s29 =	rddreg [dreg:$0xc]  }
.LBB2_4:
0x29: {  	s31 =	sadd.s32 $0x20, s31  }
0x2a: {  	p0 =	sne.s32 s31, $0x500  }
.Ltmp1:
0x2b: {  	_ = 	snop;
	(pc) =	sbr.rel @!p0 .LBB2_5-.Ltmp1, $2  }
0x2c: {  	_ =	sdelay $0x2  }
0x2d: {  	s29 =	sadd.s32 $0x80, s29;
	s26 =	sadd.s32 $0x100, s26  }
.LBB2_2:
0x2e: {  	p0 =	sgt.u32 s26, $0x4E1FF  }
.Ltmp2:
0x2f: {  	_ = 	snop;
	(pc) =	sbr.rel @p0 .LBB2_4-.Ltmp2, $1  }
0x30: {  	_ =	sdelay $0x3  }
0x31: {  	s0 =	sadd.s32 s31, s13  }
0x32: {  	[tilespmem:s4], [sflag:$0x3] =	stream.linear.gather [hbm4b:s0+s4], $0x100, $0x38;
	[tilespmem:$0x1F500] =	vst v63  }
0x33: {  	_ =	swait.ge [sflag:s16], $0x100  }
0x34: {  	[sflag:s16] =	ssyncset.done $0x0  }
0x35: {  	[sflag:s16] =	ssyncadd.s32 $0xFFFFFF00  }
0x36: {  	[tilespmem:s18], [sflag:$0x3] =	stream.linear.gather [hbm4b:s29+s4], $0x400, $0x38;
	[tilespmem:$0x1F500] =	vst v63  }
0x37: {  	_ =	swait.ge [sflag:s16], $0x400  }
0x38: {  	[sflag:s16] =	ssyncset.done $0x0  }
0x39: {  	[sflag:s16] =	ssyncadd.s32 $0xFFFFFC00  }
0x3a: {  	[tilespmem:s20], [sflag:$0x1] =	stream.indirect.gather [hbm4b:s1+s19], $0x80, s4, s19, $0xb8;
	[tilespmem:$0x1F500] =	vst v63  }
0x3b: {  	_ = 	snop  }
0x3c: {  	[tilespmem:s21], [sflag:$0x1] =	stream.indirect.gather [hbm4b:s1+s19], $0x80, s19, s19, $0xb8;
	[tilespmem:$0x1F500] =	vst v63  }
0x3d: {  	s0 =	simm.s32 $0x40  }
0x3e: {  	[tilespmem:s23], [sflag:$0x1] =	stream.indirect.gather [hbm4b:s1+s19], $0x80, s0, s19, $0xb8;
	[tilespmem:$0x1F500] =	vst v63  }
0x3f: {  	s0 =	simm.s32 $0x60  }
0x40: {  	[tilespmem:s25], [sflag:$0x1] =	stream.indirect.gather [hbm4b:s1+s19], $0x80, s0, s19, $0xb8;
	[tilespmem:$0x1F500] =	vst v63  }
0x41: {  	s0 =	simm.s32 $0x80  }
0x42: {  	[tilespmem:s28], [sflag:$0x1] =	stream.indirect.gather [hbm4b:s1+s19], $0x80, s0, s19, $0xb8;
	[tilespmem:$0x1F500] =	vst v63  }
0x43: {  	s0 =	simm.s32 $0xA0  }
0x44: {  	[tilespmem:s30], [sflag:$0x1] =	stream.indirect.gather [hbm4b:s1+s19], $0x80, s0, s19, $0xb8;
	[tilespmem:$0x1F500] =	vst v63  }
0x45: {  	s0 =	simm.s32 $0xC0  }
0x46: {  	[tilespmem:s2], [sflag:$0x1] =	stream.indirect.gather [hbm4b:s1+s19], $0x80, s0, s19, $0xb8;
	[tilespmem:$0x1F500] =	vst v63  }
0x47: {  	s0 =	simm.s32 $0xE0  }
0x48: {  	[tilespmem:s6], [sflag:$0x1] =	stream.indirect.gather [hbm4b:s1+s19], $0x80, s0, s19, $0xb8;
	[tilespmem:$0x1F500] =	vst v63  }
0x49: {  	_ =	swait.ge [sflag:s5], $0x1000  }
0x4a: {  	[sflag:s5] =	ssyncset.done $0x0  }
0x4b: {  	[sflag:s5] =	ssyncadd.s32 $0xFFFFF000  }
0x4c: {  	_ =	swait.ge [sflag:s5], $0x1000  }
0x4d: {  	[sflag:s5] =	ssyncset.done $0x0  }
0x4e: {  	[sflag:s5] =	ssyncadd.s32 $0xFFFFF000  }
0x4f: {  	_ =	swait.ge [sflag:s5], $0x1000  }
0x50: {  	[sflag:s5] =	ssyncset.done $0x0  }
0x51: {  	[sflag:s5] =	ssyncadd.s32 $0xFFFFF000  }
0x52: {  	_ =	swait.ge [sflag:s5], $0x1000  }
0x53: {  	[sflag:s5] =	ssyncset.done $0x0  }
0x54: {  	[sflag:s5] =	ssyncadd.s32 $0xFFFFF000  }
0x55: {  	_ =	swait.ge [sflag:s5], $0x1000  }
0x56: {  	[sflag:s5] =	ssyncset.done $0x0  }
0x57: {  	[sflag:s5] =	ssyncadd.s32 $0xFFFFF000  }
0x58: {  	_ =	swait.ge [sflag:s5], $0x1000  }
0x59: {  	[sflag:s5] =	ssyncset.done $0x0  }
0x5a: {  	[sflag:s5] =	ssyncadd.s32 $0xFFFFF000  }
0x5b: {  	_ =	swait.ge [sflag:s5], $0x1000  }
0x5c: {  	[sflag:s5] =	ssyncset.done $0x0  }
0x5d: {  	[sflag:s5] =	ssyncadd.s32 $0xFFFFF000  }
0x5e: {  	_ =	swait.ge [sflag:s5], $0x1000  }
0x5f: {  	[sflag:s5] =	ssyncset.done $0x0  }
0x60: {  	[sflag:s5] =	ssyncadd.s32 $0xFFFFF000  }
0x61: {  	[spmem:s3] =	stream.indirect.scatter.add.f32 [tilespmem:s20], [sflag:$0x2], $0x80, s18, s19, $0xb8;
	[tilespmem:$0x1F500] =	vst v63  }
0x62: {  	_ = 	snop  }
0x63: {  	[spmem:s3] =	stream.indirect.scatter.add.f32 [tilespmem:s21], [sflag:$0x2], $0x80, s7, s19, $0xb8;
	[tilespmem:$0x1F500] =	vst v63  }
0x64: {  	_ = 	snop  }
0x65: {  	[spmem:s3] =	stream.indirect.scatter.add.f32 [tilespmem:s23], [sflag:$0x2], $0x80, s9, s19, $0xb8;
	[tilespmem:$0x1F500] =	vst v63  }
0x66: {  	_ = 	snop  }
0x67: {  	[spmem:s3] =	stream.indirect.scatter.add.f32 [tilespmem:s25], [sflag:$0x2], $0x80, s10, s19, $0xb8;
	[tilespmem:$0x1F500] =	vst v63  }
0x68: {  	_ = 	snop  }
0x69: {  	[spmem:s3] =	stream.indirect.scatter.add.f32 [tilespmem:s28], [sflag:$0x2], $0x80, s11, s19, $0xb8;
	[tilespmem:$0x1F500] =	vst v63  }
0x6a: {  	_ = 	snop  }
0x6b: {  	[spmem:s3] =	stream.indirect.scatter.add.f32 [tilespmem:s30], [sflag:$0x2], $0x80, s12, s19, $0xb8;
	[tilespmem:$0x1F500] =	vst v63  }
0x6c: {  	_ = 	snop  }
0x6d: {  	[spmem:s3] =	stream.indirect.scatter.add.f32 [tilespmem:s2], [sflag:$0x2], $0x80, s8, s19, $0xb8;
	[tilespmem:$0x1F500] =	vst v63  }
0x6e: {  	_ = 	snop  }
0x6f: {  	[spmem:s3] =	stream.indirect.scatter.add.f32 [tilespmem:s6], [sflag:$0x2], $0x80, s15, s19, $0xb8;
	[tilespmem:$0x1F500] =	vst v63  }
0x70: {  	_ =	swait.ge [sflag:s22], $0x1000  }
0x71: {  	[sflag:s22] =	ssyncset.done $0x0  }
0x72: {  	[sflag:s22] =	ssyncadd.s32 $0xFFFFF000  }
0x73: {  	_ =	swait.ge [sflag:s22], $0x1000  }
0x74: {  	[sflag:s22] =	ssyncset.done $0x0  }
0x75: {  	[sflag:s22] =	ssyncadd.s32 $0xFFFFF000  }
0x76: {  	_ =	swait.ge [sflag:s22], $0x1000  }
0x77: {  	[sflag:s22] =	ssyncset.done $0x0  }
0x78: {  	[sflag:s22] =	ssyncadd.s32 $0xFFFFF000  }
0x79: {  	_ =	swait.ge [sflag:s22], $0x1000  }
0x7a: {  	[sflag:s22] =	ssyncset.done $0x0  }
0x7b: {  	[sflag:s22] =	ssyncadd.s32 $0xFFFFF000  }
0x7c: {  	_ =	swait.ge [sflag:s22], $0x1000  }
0x7d: {  	[sflag:s22] =	ssyncset.done $0x0  }
0x7e: {  	[sflag:s22] =	ssyncadd.s32 $0xFFFFF000  }
0x7f: {  	_ =	swait.ge [sflag:s22], $0x1000  }
0x80: {  	[sflag:s22] =	ssyncset.done $0x0  }
0x81: {  	[sflag:s22] =	ssyncadd.s32 $0xFFFFF000  }
0x82: {  	_ =	swait.ge [sflag:s22], $0x1000  }
.Ltmp3:
0x83: {  	[sflag:s22] =	ssyncset.done $0x0;
	(pc) =	sbr.rel .LBB2_4-.Ltmp3, $4  }
0x84: {  	[sflag:s22] =	ssyncadd.s32 $0xFFFFF000  }
0x85: {  	_ =	swait.ge [sflag:s22], $0x1000  }
0x86: {  	[sflag:s22] =	ssyncset.done $0x0  }
0x87: {  	[sflag:s22] =	ssyncadd.s32 $0xFFFFF000  }
.LBB2_5:
0x88: {  	s26 =	simm.s32 $0x0  }
.LBB2_6:
0x89: {  	s0 =	sadd.s32 s26, s14  }
0x8a: {  	[tilespmem:s24], [sflag:$0x3] =	stream.linear.gather [hbm4b:s0+s4], $0x800, $0x38;
	[tilespmem:$0x1F500] =	vst v63  }
0x8b: {  	_ =	swait.ge [sflag:s16], $0x800  }
0x8c: {  	[sflag:s16] =	ssyncset.done $0x0  }
0x8d: {  	[sflag:s16] =	ssyncadd.s32 $0xFFFFF800  }
0x8e: {  	v1 =	vld [tilespmem:$0x8500];
	_ =	sdelay $0x7  }
0x8f: {  	[tilespmem:v1+s17+$0x0] =	vst.idx.add.f32.msk $0xffff, v0  }
0x90: {  	v1 =	vld [tilespmem:$0x8510];
	_ =	sdelay $0x7  }
0x91: {  	[tilespmem:v1+s17+$0x0] =	vst.idx.add.f32.msk $0xffff, v0  }
0x92: {  	v1 =	vld [tilespmem:$0x8520];
	_ =	sdelay $0x7  }
0x93: {  	[tilespmem:v1+s17+$0x0] =	vst.idx.add.f32.msk $0xffff, v0  }
0x94: {  	v1 =	vld [tilespmem:$0x8530];
	_ =	sdelay $0x7  }
0x95: {  	[tilespmem:v1+s17+$0x0] =	vst.idx.add.f32.msk $0xffff, v0  }
0x96: {  	v1 =	vld [tilespmem:$0x8540];
	_ =	sdelay $0x7  }
0x97: {  	[tilespmem:v1+s17+$0x0] =	vst.idx.add.f32.msk $0xffff, v0  }
0x98: {  	v1 =	vld [tilespmem:$0x8550];
	_ =	sdelay $0x7  }
0x99: {  	[tilespmem:v1+s17+$0x0] =	vst.idx.add.f32.msk $0xffff, v0  }
0x9a: {  	v1 =	vld [tilespmem:$0x8560];
	_ =	sdelay $0x7  }
0x9b: {  	[tilespmem:v1+s17+$0x0] =	vst.idx.add.f32.msk $0xffff, v0  }
0x9c: {  	v1 =	vld [tilespmem:$0x8570];
	_ =	sdelay $0x7  }
0x9d: {  	[tilespmem:v1+s17+$0x0] =	vst.idx.add.f32.msk $0xffff, v0  }
0x9e: {  	v1 =	vld [tilespmem:$0x8580];
	_ =	sdelay $0x7  }
0x9f: {  	[tilespmem:v1+s17+$0x0] =	vst.idx.add.f32.msk $0xffff, v0  }
0xa0: {  	v1 =	vld [tilespmem:$0x8590];
	_ =	sdelay $0x7  }
0xa1: {  	[tilespmem:v1+s17+$0x0] =	vst.idx.add.f32.msk $0xffff, v0  }
0xa2: {  	v1 =	vld [tilespmem:$0x85A0];
	_ =	sdelay $0x7  }
0xa3: {  	[tilespmem:v1+s17+$0x0] =	vst.idx.add.f32.msk $0xffff, v0  }
0xa4: {  	v1 =	vld [tilespmem:$0x85B0];
	_ =	sdelay $0x7  }
0xa5: {  	[tilespmem:v1+s17+$0x0] =	vst.idx.add.f32.msk $0xffff, v0  }
0xa6: {  	v1 =	vld [tilespmem:$0x85C0];
	_ =	sdelay $0x7  }
0xa7: {  	[tilespmem:v1+s17+$0x0] =	vst.idx.add.f32.msk $0xffff, v0  }
0xa8: {  	v1 =	vld [tilespmem:$0x85D0];
	_ =	sdelay $0x7  }
0xa9: {  	[tilespmem:v1+s17+$0x0] =	vst.idx.add.f32.msk $0xffff, v0  }
0xaa: {  	v1 =	vld [tilespmem:$0x85E0];
	_ =	sdelay $0x7  }
0xab: {  	[tilespmem:v1+s17+$0x0] =	vst.idx.add.f32.msk $0xffff, v0  }
0xac: {  	v1 =	vld [tilespmem:$0x85F0];
	_ =	sdelay $0x7  }
0xad: {  	[tilespmem:v1+s17+$0x0] =	vst.idx.add.f32.msk $0xffff, v0  }
0xae: {  	v1 =	vld [tilespmem:$0x8600];
	_ =	sdelay $0x7  }
0xaf: {  	[tilespmem:v1+s17+$0x0] =	vst.idx.add.f32.msk $0xffff, v0  }
0xb0: {  	v1 =	vld [tilespmem:$0x8610];
	_ =	sdelay $0x7  }
0xb1: {  	[tilespmem:v1+s17+$0x0] =	vst.idx.add.f32.msk $0xffff, v0  }
0xb2: {  	v1 =	vld [tilespmem:$0x8620];
	_ =	sdelay $0x7  }
0xb3: {  	[tilespmem:v1+s17+$0x0] =	vst.idx.add.f32.msk $0xffff, v0  }
0xb4: {  	v1 =	vld [tilespmem:$0x8630];
	_ =	sdelay $0x7  }
0xb5: {  	[tilespmem:v1+s17+$0x0] =	vst.idx.add.f32.msk $0xffff, v0  }
0xb6: {  	v1 =	vld [tilespmem:$0x8640];
	_ =	sdelay $0x7  }
0xb7: {  	[tilespmem:v1+s17+$0x0] =	vst.idx.add.f32.msk $0xffff, v0  }
0xb8: {  	v1 =	vld [tilespmem:$0x8650];
	_ =	sdelay $0x7  }
0xb9: {  	[tilespmem:v1+s17+$0x0] =	vst.idx.add.f32.msk $0xffff, v0  }
0xba: {  	v1 =	vld [tilespmem:$0x8660];
	_ =	sdelay $0x7  }
0xbb: {  	[tilespmem:v1+s17+$0x0] =	vst.idx.add.f32.msk $0xffff, v0  }
0xbc: {  	v1 =	vld [tilespmem:$0x8670];
	_ =	sdelay $0x7  }
0xbd: {  	[tilespmem:v1+s17+$0x0] =	vst.idx.add.f32.msk $0xffff, v0  }
0xbe: {  	v1 =	vld [tilespmem:$0x8680];
	_ =	sdelay $0x7  }
0xbf: {  	[tilespmem:v1+s17+$0x0] =	vst.idx.add.f32.msk $0xffff, v0  }
0xc0: {  	v1 =	vld [tilespmem:$0x8690];
	_ =	sdelay $0x7  }
0xc1: {  	[tilespmem:v1+s17+$0x0] =	vst.idx.add.f32.msk $0xffff, v0  }
0xc2: {  	v1 =	vld [tilespmem:$0x86A0];
	_ =	sdelay $0x7  }
0xc3: {  	[tilespmem:v1+s17+$0x0] =	vst.idx.add.f32.msk $0xffff, v0  }
0xc4: {  	v1 =	vld [tilespmem:$0x86B0];
	_ =	sdelay $0x7  }
0xc5: {  	[tilespmem:v1+s17+$0x0] =	vst.idx.add.f32.msk $0xffff, v0  }
0xc6: {  	v1 =	vld [tilespmem:$0x86C0];
	_ =	sdelay $0x7  }
0xc7: {  	[tilespmem:v1+s17+$0x0] =	vst.idx.add.f32.msk $0xffff, v0  }
0xc8: {  	v1 =	vld [tilespmem:$0x86D0];
	_ =	sdelay $0x7  }
0xc9: {  	[tilespmem:v1+s17+$0x0] =	vst.idx.add.f32.msk $0xffff, v0  }
0xca: {  	v1 =	vld [tilespmem:$0x86E0];
	_ =	sdelay $0x7  }
0xcb: {  	[tilespmem:v1+s17+$0x0] =	vst.idx.add.f32.msk $0xffff, v0  }
0xcc: {  	v1 =	vld [tilespmem:$0x86F0];
	_ =	sdelay $0x7  }
0xcd: {  	[tilespmem:v1+s17+$0x0] =	vst.idx.add.f32.msk $0xffff, v0  }
0xce: {  	v1 =	vld [tilespmem:$0x8700];
	_ =	sdelay $0x7  }
0xcf: {  	[tilespmem:v1+s17+$0x0] =	vst.idx.add.f32.msk $0xffff, v0  }
0xd0: {  	v1 =	vld [tilespmem:$0x8710];
	_ =	sdelay $0x7  }
0xd1: {  	[tilespmem:v1+s17+$0x0] =	vst.idx.add.f32.msk $0xffff, v0  }
0xd2: {  	v1 =	vld [tilespmem:$0x8720];
	_ =	sdelay $0x7  }
0xd3: {  	[tilespmem:v1+s17+$0x0] =	vst.idx.add.f32.msk $0xffff, v0  }
0xd4: {  	v1 =	vld [tilespmem:$0x8730];
	_ =	sdelay $0x7  }
0xd5: {  	[tilespmem:v1+s17+$0x0] =	vst.idx.add.f32.msk $0xffff, v0  }
0xd6: {  	v1 =	vld [tilespmem:$0x8740];
	_ =	sdelay $0x7  }
0xd7: {  	[tilespmem:v1+s17+$0x0] =	vst.idx.add.f32.msk $0xffff, v0  }
0xd8: {  	v1 =	vld [tilespmem:$0x8750];
	_ =	sdelay $0x7  }
0xd9: {  	[tilespmem:v1+s17+$0x0] =	vst.idx.add.f32.msk $0xffff, v0  }
0xda: {  	v1 =	vld [tilespmem:$0x8760];
	_ =	sdelay $0x7  }
0xdb: {  	[tilespmem:v1+s17+$0x0] =	vst.idx.add.f32.msk $0xffff, v0  }
0xdc: {  	v1 =	vld [tilespmem:$0x8770];
	_ =	sdelay $0x7  }
0xdd: {  	[tilespmem:v1+s17+$0x0] =	vst.idx.add.f32.msk $0xffff, v0  }
0xde: {  	v1 =	vld [tilespmem:$0x8780];
	_ =	sdelay $0x7  }
0xdf: {  	[tilespmem:v1+s17+$0x0] =	vst.idx.add.f32.msk $0xffff, v0  }
0xe0: {  	v1 =	vld [tilespmem:$0x8790];
	_ =	sdelay $0x7  }
0xe1: {  	[tilespmem:v1+s17+$0x0] =	vst.idx.add.f32.msk $0xffff, v0  }
0xe2: {  	v1 =	vld [tilespmem:$0x87A0];
	_ =	sdelay $0x7  }
0xe3: {  	[tilespmem:v1+s17+$0x0] =	vst.idx.add.f32.msk $0xffff, v0  }
0xe4: {  	v1 =	vld [tilespmem:$0x87B0];
	_ =	sdelay $0x7  }
0xe5: {  	[tilespmem:v1+s17+$0x0] =	vst.idx.add.f32.msk $0xffff, v0  }
0xe6: {  	v1 =	vld [tilespmem:$0x87C0];
	_ =	sdelay $0x7  }
0xe7: {  	[tilespmem:v1+s17+$0x0] =	vst.idx.add.f32.msk $0xffff, v0  }
0xe8: {  	v1 =	vld [tilespmem:$0x87D0];
	_ =	sdelay $0x7  }
0xe9: {  	[tilespmem:v1+s17+$0x0] =	vst.idx.add.f32.msk $0xffff, v0  }
0xea: {  	v1 =	vld [tilespmem:$0x87E0];
	_ =	sdelay $0x7  }
0xeb: {  	[tilespmem:v1+s17+$0x0] =	vst.idx.add.f32.msk $0xffff, v0  }
0xec: {  	v1 =	vld [tilespmem:$0x87F0];
	_ =	sdelay $0x7  }
0xed: {  	[tilespmem:v1+s17+$0x0] =	vst.idx.add.f32.msk $0xffff, v0  }
0xee: {  	v1 =	vld [tilespmem:$0x8800];
	_ =	sdelay $0x7  }
0xef: {  	[tilespmem:v1+s17+$0x0] =	vst.idx.add.f32.msk $0xffff, v0  }
0xf0: {  	v1 =	vld [tilespmem:$0x8810];
	_ =	sdelay $0x7  }
0xf1: {  	[tilespmem:v1+s17+$0x0] =	vst.idx.add.f32.msk $0xffff, v0  }
0xf2: {  	v1 =	vld [tilespmem:$0x8820];
	_ =	sdelay $0x7  }
0xf3: {  	[tilespmem:v1+s17+$0x0] =	vst.idx.add.f32.msk $0xffff, v0  }
0xf4: {  	v1 =	vld [tilespmem:$0x8830];
	_ =	sdelay $0x7  }
0xf5: {  	[tilespmem:v1+s17+$0x0] =	vst.idx.add.f32.msk $0xffff, v0  }
0xf6: {  	v1 =	vld [tilespmem:$0x8840];
	_ =	sdelay $0x7  }
0xf7: {  	[tilespmem:v1+s17+$0x0] =	vst.idx.add.f32.msk $0xffff, v0  }
0xf8: {  	v1 =	vld [tilespmem:$0x8850];
	_ =	sdelay $0x7  }
0xf9: {  	[tilespmem:v1+s17+$0x0] =	vst.idx.add.f32.msk $0xffff, v0  }
0xfa: {  	v1 =	vld [tilespmem:$0x8860];
	_ =	sdelay $0x7  }
0xfb: {  	[tilespmem:v1+s17+$0x0] =	vst.idx.add.f32.msk $0xffff, v0  }
0xfc: {  	v1 =	vld [tilespmem:$0x8870];
	_ =	sdelay $0x7  }
0xfd: {  	[tilespmem:v1+s17+$0x0] =	vst.idx.add.f32.msk $0xffff, v0  }
0xfe: {  	v1 =	vld [tilespmem:$0x8880];
	_ =	sdelay $0x7  }
0xff: {  	[tilespmem:v1+s17+$0x0] =	vst.idx.add.f32.msk $0xffff, v0  }
0x100: {  	v1 =	vld [tilespmem:$0x8890];
	_ =	sdelay $0x7  }
0x101: {  	[tilespmem:v1+s17+$0x0] =	vst.idx.add.f32.msk $0xffff, v0  }
0x102: {  	v1 =	vld [tilespmem:$0x88A0];
	_ =	sdelay $0x7  }
0x103: {  	[tilespmem:v1+s17+$0x0] =	vst.idx.add.f32.msk $0xffff, v0  }
0x104: {  	v1 =	vld [tilespmem:$0x88B0];
	_ =	sdelay $0x7  }
0x105: {  	[tilespmem:v1+s17+$0x0] =	vst.idx.add.f32.msk $0xffff, v0  }
0x106: {  	v1 =	vld [tilespmem:$0x88C0];
	_ =	sdelay $0x7  }
0x107: {  	[tilespmem:v1+s17+$0x0] =	vst.idx.add.f32.msk $0xffff, v0  }
0x108: {  	v1 =	vld [tilespmem:$0x88D0];
	_ =	sdelay $0x7  }
0x109: {  	[tilespmem:v1+s17+$0x0] =	vst.idx.add.f32.msk $0xffff, v0  }
0x10a: {  	v1 =	vld [tilespmem:$0x88E0];
	_ =	sdelay $0x7  }
0x10b: {  	[tilespmem:v1+s17+$0x0] =	vst.idx.add.f32.msk $0xffff, v0  }
0x10c: {  	v1 =	vld [tilespmem:$0x88F0];
	_ =	sdelay $0x7  }
0x10d: {  	[tilespmem:v1+s17+$0x0] =	vst.idx.add.f32.msk $0xffff, v0  }
0x10e: {  	v1 =	vld [tilespmem:$0x8900];
	_ =	sdelay $0x7  }
0x10f: {  	[tilespmem:v1+s17+$0x0] =	vst.idx.add.f32.msk $0xffff, v0  }
0x110: {  	v1 =	vld [tilespmem:$0x8910];
	_ =	sdelay $0x7  }
0x111: {  	[tilespmem:v1+s17+$0x0] =	vst.idx.add.f32.msk $0xffff, v0  }
0x112: {  	v1 =	vld [tilespmem:$0x8920];
	_ =	sdelay $0x7  }
0x113: {  	[tilespmem:v1+s17+$0x0] =	vst.idx.add.f32.msk $0xffff, v0  }
0x114: {  	v1 =	vld [tilespmem:$0x8930];
	_ =	sdelay $0x7  }
0x115: {  	[tilespmem:v1+s17+$0x0] =	vst.idx.add.f32.msk $0xffff, v0  }
0x116: {  	v1 =	vld [tilespmem:$0x8940];
	_ =	sdelay $0x7  }
0x117: {  	[tilespmem:v1+s17+$0x0] =	vst.idx.add.f32.msk $0xffff, v0  }
0x118: {  	v1 =	vld [tilespmem:$0x8950];
	_ =	sdelay $0x7  }
0x119: {  	[tilespmem:v1+s17+$0x0] =	vst.idx.add.f32.msk $0xffff, v0  }
0x11a: {  	v1 =	vld [tilespmem:$0x8960];
	_ =	sdelay $0x7  }
0x11b: {  	[tilespmem:v1+s17+$0x0] =	vst.idx.add.f32.msk $0xffff, v0  }
0x11c: {  	v1 =	vld [tilespmem:$0x8970];
	_ =	sdelay $0x7  }
0x11d: {  	[tilespmem:v1+s17+$0x0] =	vst.idx.add.f32.msk $0xffff, v0  }
0x11e: {  	v1 =	vld [tilespmem:$0x8980];
	_ =	sdelay $0x7  }
0x11f: {  	[tilespmem:v1+s17+$0x0] =	vst.idx.add.f32.msk $0xffff, v0  }
0x120: {  	v1 =	vld [tilespmem:$0x8990];
	_ =	sdelay $0x7  }
0x121: {  	[tilespmem:v1+s17+$0x0] =	vst.idx.add.f32.msk $0xffff, v0  }
0x122: {  	v1 =	vld [tilespmem:$0x89A0];
	_ =	sdelay $0x7  }
0x123: {  	[tilespmem:v1+s17+$0x0] =	vst.idx.add.f32.msk $0xffff, v0  }
0x124: {  	v1 =	vld [tilespmem:$0x89B0];
	_ =	sdelay $0x7  }
0x125: {  	[tilespmem:v1+s17+$0x0] =	vst.idx.add.f32.msk $0xffff, v0  }
0x126: {  	v1 =	vld [tilespmem:$0x89C0];
	_ =	sdelay $0x7  }
0x127: {  	[tilespmem:v1+s17+$0x0] =	vst.idx.add.f32.msk $0xffff, v0  }
0x128: {  	v1 =	vld [tilespmem:$0x89D0];
	_ =	sdelay $0x7  }
0x129: {  	[tilespmem:v1+s17+$0x0] =	vst.idx.add.f32.msk $0xffff, v0  }
0x12a: {  	v1 =	vld [tilespmem:$0x89E0];
	_ =	sdelay $0x7  }
0x12b: {  	[tilespmem:v1+s17+$0x0] =	vst.idx.add.f32.msk $0xffff, v0  }
0x12c: {  	v1 =	vld [tilespmem:$0x89F0];
	_ =	sdelay $0x7  }
0x12d: {  	[tilespmem:v1+s17+$0x0] =	vst.idx.add.f32.msk $0xffff, v0  }
0x12e: {  	v1 =	vld [tilespmem:$0x8A00];
	_ =	sdelay $0x7  }
0x12f: {  	[tilespmem:v1+s17+$0x0] =	vst.idx.add.f32.msk $0xffff, v0  }
0x130: {  	v1 =	vld [tilespmem:$0x8A10];
	_ =	sdelay $0x7  }
0x131: {  	[tilespmem:v1+s17+$0x0] =	vst.idx.add.f32.msk $0xffff, v0  }
0x132: {  	v1 =	vld [tilespmem:$0x8A20];
	_ =	sdelay $0x7  }
0x133: {  	[tilespmem:v1+s17+$0x0] =	vst.idx.add.f32.msk $0xffff, v0  }
0x134: {  	v1 =	vld [tilespmem:$0x8A30];
	_ =	sdelay $0x7  }
0x135: {  	[tilespmem:v1+s17+$0x0] =	vst.idx.add.f32.msk $0xffff, v0  }
0x136: {  	v1 =	vld [tilespmem:$0x8A40];
	_ =	sdelay $0x7  }
0x137: {  	[tilespmem:v1+s17+$0x0] =	vst.idx.add.f32.msk $0xffff, v0  }
0x138: {  	v1 =	vld [tilespmem:$0x8A50];
	_ =	sdelay $0x7  }
0x139: {  	[tilespmem:v1+s17+$0x0] =	vst.idx.add.f32.msk $0xffff, v0  }
0x13a: {  	v1 =	vld [tilespmem:$0x8A60];
	_ =	sdelay $0x7  }
0x13b: {  	[tilespmem:v1+s17+$0x0] =	vst.idx.add.f32.msk $0xffff, v0  }
0x13c: {  	v1 =	vld [tilespmem:$0x8A70];
	_ =	sdelay $0x7  }
0x13d: {  	[tilespmem:v1+s17+$0x0] =	vst.idx.add.f32.msk $0xffff, v0  }
0x13e: {  	v1 =	vld [tilespmem:$0x8A80];
	_ =	sdelay $0x7  }
0x13f: {  	[tilespmem:v1+s17+$0x0] =	vst.idx.add.f32.msk $0xffff, v0  }
0x140: {  	v1 =	vld [tilespmem:$0x8A90];
	_ =	sdelay $0x7  }
0x141: {  	[tilespmem:v1+s17+$0x0] =	vst.idx.add.f32.msk $0xffff, v0  }
0x142: {  	v1 =	vld [tilespmem:$0x8AA0];
	_ =	sdelay $0x7  }
0x143: {  	[tilespmem:v1+s17+$0x0] =	vst.idx.add.f32.msk $0xffff, v0  }
0x144: {  	v1 =	vld [tilespmem:$0x8AB0];
	_ =	sdelay $0x7  }
0x145: {  	[tilespmem:v1+s17+$0x0] =	vst.idx.add.f32.msk $0xffff, v0  }
0x146: {  	v1 =	vld [tilespmem:$0x8AC0];
	_ =	sdelay $0x7  }
0x147: {  	[tilespmem:v1+s17+$0x0] =	vst.idx.add.f32.msk $0xffff, v0  }
0x148: {  	v1 =	vld [tilespmem:$0x8AD0];
	_ =	sdelay $0x7  }
0x149: {  	[tilespmem:v1+s17+$0x0] =	vst.idx.add.f32.msk $0xffff, v0  }
0x14a: {  	v1 =	vld [tilespmem:$0x8AE0];
	_ =	sdelay $0x7  }
0x14b: {  	[tilespmem:v1+s17+$0x0] =	vst.idx.add.f32.msk $0xffff, v0  }
0x14c: {  	v1 =	vld [tilespmem:$0x8AF0];
	_ =	sdelay $0x7  }
0x14d: {  	[tilespmem:v1+s17+$0x0] =	vst.idx.add.f32.msk $0xffff, v0  }
0x14e: {  	v1 =	vld [tilespmem:$0x8B00];
	_ =	sdelay $0x7  }
0x14f: {  	[tilespmem:v1+s17+$0x0] =	vst.idx.add.f32.msk $0xffff, v0  }
0x150: {  	v1 =	vld [tilespmem:$0x8B10];
	_ =	sdelay $0x7  }
0x151: {  	[tilespmem:v1+s17+$0x0] =	vst.idx.add.f32.msk $0xffff, v0  }
0x152: {  	v1 =	vld [tilespmem:$0x8B20];
	_ =	sdelay $0x7  }
0x153: {  	[tilespmem:v1+s17+$0x0] =	vst.idx.add.f32.msk $0xffff, v0  }
0x154: {  	v1 =	vld [tilespmem:$0x8B30];
	_ =	sdelay $0x7  }
0x155: {  	[tilespmem:v1+s17+$0x0] =	vst.idx.add.f32.msk $0xffff, v0  }
0x156: {  	v1 =	vld [tilespmem:$0x8B40];
	_ =	sdelay $0x7  }
0x157: {  	[tilespmem:v1+s17+$0x0] =	vst.idx.add.f32.msk $0xffff, v0  }
0x158: {  	v1 =	vld [tilespmem:$0x8B50];
	_ =	sdelay $0x7  }
0x159: {  	[tilespmem:v1+s17+$0x0] =	vst.idx.add.f32.msk $0xffff, v0  }
0x15a: {  	v1 =	vld [tilespmem:$0x8B60];
	_ =	sdelay $0x7  }
0x15b: {  	[tilespmem:v1+s17+$0x0] =	vst.idx.add.f32.msk $0xffff, v0  }
0x15c: {  	v1 =	vld [tilespmem:$0x8B70];
	_ =	sdelay $0x7  }
0x15d: {  	[tilespmem:v1+s17+$0x0] =	vst.idx.add.f32.msk $0xffff, v0  }
0x15e: {  	v1 =	vld [tilespmem:$0x8B80];
	_ =	sdelay $0x7  }
0x15f: {  	[tilespmem:v1+s17+$0x0] =	vst.idx.add.f32.msk $0xffff, v0  }
0x160: {  	v1 =	vld [tilespmem:$0x8B90];
	_ =	sdelay $0x7  }
0x161: {  	[tilespmem:v1+s17+$0x0] =	vst.idx.add.f32.msk $0xffff, v0  }
0x162: {  	v1 =	vld [tilespmem:$0x8BA0];
	_ =	sdelay $0x7  }
0x163: {  	[tilespmem:v1+s17+$0x0] =	vst.idx.add.f32.msk $0xffff, v0  }
0x164: {  	v1 =	vld [tilespmem:$0x8BB0];
	_ =	sdelay $0x7  }
0x165: {  	[tilespmem:v1+s17+$0x0] =	vst.idx.add.f32.msk $0xffff, v0  }
0x166: {  	v1 =	vld [tilespmem:$0x8BC0];
	_ =	sdelay $0x7  }
0x167: {  	[tilespmem:v1+s17+$0x0] =	vst.idx.add.f32.msk $0xffff, v0  }
0x168: {  	v1 =	vld [tilespmem:$0x8BD0];
	_ =	sdelay $0x7  }
0x169: {  	[tilespmem:v1+s17+$0x0] =	vst.idx.add.f32.msk $0xffff, v0  }
0x16a: {  	v1 =	vld [tilespmem:$0x8BE0];
	_ =	sdelay $0x7  }
0x16b: {  	[tilespmem:v1+s17+$0x0] =	vst.idx.add.f32.msk $0xffff, v0  }
0x16c: {  	v1 =	vld [tilespmem:$0x8BF0];
	_ =	sdelay $0x7  }
0x16d: {  	[tilespmem:v1+s17+$0x0] =	vst.idx.add.f32.msk $0xffff, v0  }
0x16e: {  	v1 =	vld [tilespmem:$0x8C00];
	_ =	sdelay $0x7  }
0x16f: {  	[tilespmem:v1+s17+$0x0] =	vst.idx.add.f32.msk $0xffff, v0  }
0x170: {  	v1 =	vld [tilespmem:$0x8C10];
	_ =	sdelay $0x7  }
0x171: {  	[tilespmem:v1+s17+$0x0] =	vst.idx.add.f32.msk $0xffff, v0  }
0x172: {  	v1 =	vld [tilespmem:$0x8C20];
	_ =	sdelay $0x7  }
0x173: {  	[tilespmem:v1+s17+$0x0] =	vst.idx.add.f32.msk $0xffff, v0  }
0x174: {  	v1 =	vld [tilespmem:$0x8C30];
	_ =	sdelay $0x7  }
0x175: {  	[tilespmem:v1+s17+$0x0] =	vst.idx.add.f32.msk $0xffff, v0  }
0x176: {  	v1 =	vld [tilespmem:$0x8C40];
	_ =	sdelay $0x7  }
0x177: {  	[tilespmem:v1+s17+$0x0] =	vst.idx.add.f32.msk $0xffff, v0  }
0x178: {  	v1 =	vld [tilespmem:$0x8C50];
	_ =	sdelay $0x7  }
0x179: {  	[tilespmem:v1+s17+$0x0] =	vst.idx.add.f32.msk $0xffff, v0  }
0x17a: {  	v1 =	vld [tilespmem:$0x8C60];
	_ =	sdelay $0x7  }
0x17b: {  	[tilespmem:v1+s17+$0x0] =	vst.idx.add.f32.msk $0xffff, v0  }
0x17c: {  	v1 =	vld [tilespmem:$0x8C70];
	_ =	sdelay $0x7  }
0x17d: {  	[tilespmem:v1+s17+$0x0] =	vst.idx.add.f32.msk $0xffff, v0  }
0x17e: {  	v1 =	vld [tilespmem:$0x8C80];
	_ =	sdelay $0x7  }
0x17f: {  	[tilespmem:v1+s17+$0x0] =	vst.idx.add.f32.msk $0xffff, v0  }
0x180: {  	v1 =	vld [tilespmem:$0x8C90];
	_ =	sdelay $0x7  }
0x181: {  	[tilespmem:v1+s17+$0x0] =	vst.idx.add.f32.msk $0xffff, v0  }
0x182: {  	v1 =	vld [tilespmem:$0x8CA0];
	_ =	sdelay $0x7  }
0x183: {  	[tilespmem:v1+s17+$0x0] =	vst.idx.add.f32.msk $0xffff, v0  }
0x184: {  	v1 =	vld [tilespmem:$0x8CB0];
	_ =	sdelay $0x7  }
0x185: {  	[tilespmem:v1+s17+$0x0] =	vst.idx.add.f32.msk $0xffff, v0  }
0x186: {  	v1 =	vld [tilespmem:$0x8CC0];
	_ =	sdelay $0x7  }
0x187: {  	[tilespmem:v1+s17+$0x0] =	vst.idx.add.f32.msk $0xffff, v0  }
0x188: {  	v1 =	vld [tilespmem:$0x8CD0];
	_ =	sdelay $0x7  }
0x189: {  	[tilespmem:v1+s17+$0x0] =	vst.idx.add.f32.msk $0xffff, v0  }
0x18a: {  	v1 =	vld [tilespmem:$0x8CE0];
	_ =	sdelay $0x7  }
0x18b: {  	[tilespmem:v1+s17+$0x0] =	vst.idx.add.f32.msk $0xffff, v0  }
0x18c: {  	v1 =	vld [tilespmem:$0x8CF0];
	_ =	sdelay $0x2  }
0x18d: {  	p0 =	sne.s32 s26, $0x400  }
.Ltmp4:
0x18e: {  	_ = 	snop;
	(pc) =	sbr.rel @p0 .LBB2_6-.Ltmp4, $2  }
0x18f: {  	_ =	sdelay $0x2  }
0x190: {  	s26 =	sadd.s32 $0x100, s26;
	[tilespmem:v1+s17+$0x0] =	vst.idx.add.f32.msk $0xffff, v0  }
0x191: {  	[bflag:$0x0] =	sbarrier.arrive $0xFFFF  }
0x192: {  	s26 =	rddreg [dreg:$0x8]  }
0x193: {  	s0 =	rddreg [dreg:$0x9]  }
0x194: {  	s29 =	rddreg [dreg:$0xd]  }
0x195: {  	[hbm:s0], [sflag:s26] =	dma.local [spmem:s29], $0x2800  }
0x196: {  	_ =	swait.ge [sflag:s16], $0x2800  }
0x197: {  	[sflag:s16] =	ssyncset.done $0x0  }
0x198: {  	s0 =	rddreg [dreg:$0xa];
	[sflag:s16] =	ssyncadd.s32 $0xFFFFD800  }
0x199: {  	[hbm4b:s0+s4] =	stream.linear.scatter [tilespmem:s17], [sflag:$0x3], $0x2800, $0x38;
	[tilespmem:$0x1F500] =	vst v63  }
0x19a: {  	_ =	swait.ge [sflag:s16], $0x2800  }
0x19b: {  	s31 =	rddreg [dreg:$0xe]  }
0x19c: {  	s0 =	rddreg [dreg:$0xb];
	s31 =	sadd.s32 $0x1, s31  }
0x19d: {  	p0 =	sne.s32 s31, s0  }
.Ltmp5:
0x19e: {  	_ = 	snop;
	(pc) =	sbr.rel @p0 .LBB2_1-.Ltmp5, $3  }
0x19f: {  	_ =	sdelay $0x1  }
0x1a0: {  	[sflag:s16] =	ssyncset.done $0x0  }
0x1a1: {  	[sflag:s16] =	ssyncadd.s32 $0xFFFFD800  }
0x1a2: {  	_ =	sfence.sel $0x180000  }
0x1a3: {  	[bflag:$0x0] =	sbarrier.arrive $0xFFFF  }
0x1a4: {  	_ =	strace $0x90000047  }
0x1a5: {  	s0 =	stileid.u32;
	[bflag:$0x2] =	sbarrier.arrive $0xFFFF  }
0x1a6: {  	p0 =	sne.s32 s0, $0x0;
	s0 =	rddreg [dreg:$0x4]  }
0x1a7: {  	s0 =	sadd.s32 @!p0 $0x100000, s0  }
0x1a8: {  	[sflag:s0] =	ssyncadd.tile.s32 @!p0 $0x1;
	_ =	shalt  }
.Lfunc_end2:
_tile_overlayer_lowered:
.L_overlay_start_2:
0x1a9: {  	(tag) =	ssettag $0x2  }
0x1aa: {  	s0 =	rddreg [dreg:$0x0];
	s2 =	stileid.u32  }
0x1ab: {  	s1 =	rddreg [dreg:$0x1];
	p0 =	sne.s32 s2, $0x0  }
0x1ac: {  	s3 =	rddreg [dreg:$0x2];
	[bflag:$0x3] =	sbarrier.arrive $0xFFFF;
	s2 =	simm.s32 @!p0 $0x1C03  }
0x1ad: {  	[timem:s3], [sflag:s2] =	dma.local @!p0 [hbm:s0], s1  }
0x1ae: {  	s0 =	simm.s32 @!p0 $0x3  }
0x1af: {  	_ =	swait.ge @!p0 [sflag:s0], s1  }
0x1b0: {  	s1 =	ssub.s32 @!p0 $0x0, s1;
	[sflag:s0] =	ssyncset.done @!p0 $0x0  }
0x1b1: {  	[sflag:s0] =	ssyncadd.s32 @!p0 s1  }
0x1b2: {  	[bflag:$0x3] =	sbarrier.arrive $0xFFFF  }
0x1b3: {  	_ =	shalt  }

</sc_bundles>
